<compile_context>
chip_gen: v7x
topology: tpu7x:2x2x1
jax: 0.10.2.dev20260603
libtpu: 0.0.44.dev20260713+nightly
codegen_flags: <defaults>
</compile_context>

<pallas_src>
import functools

import jax
import jax.numpy as jnp
from jax import lax
from jax.experimental import pallas as pl
from jax.experimental.pallas import tpu as pltpu
from jax.experimental.pallas import tpu_sc as plsc

T_TOK = 32768
D_DIM = 1024
E_EXP = 8
BT = 2048
THALF = T_TOK // 2

NC, NS, L = 2, 16, 16
NW = NC * NS
CW = THALF // NW



def _route(logits, logits_ref, probs_ref, mask_ref):
    logits_ref[...] = logits
    m1 = jnp.max(logits, axis=0, keepdims=True)
    ex = jnp.exp(logits - m1)
    probs_ref[...] = ex / jnp.sum(ex, axis=0, keepdims=True)
    e = logits.shape[0]
    row = jax.lax.broadcasted_iota(jnp.int32, logits.shape, 0)
    cand1 = jnp.where(logits == m1, row, e)
    i1 = jnp.min(cand1, axis=0, keepdims=True)
    take1 = row == i1
    v2 = jnp.where(take1, -jnp.inf, logits)
    m2 = jnp.max(v2, axis=0, keepdims=True)
    cand2 = jnp.where(v2 == m2, row, e)
    i2 = jnp.min(cand2, axis=0, keepdims=True)
    mask_ref[...] = (take1 | (row == i2)).astype(mask_ref.dtype)


def _mm_body(h_ref, w_ref, logits_ref):
    logits_ref[...] = jax.lax.dot_general(
        w_ref[...], h_ref[...], (((1,), (1,)), ((), ())),
        preferred_element_type=jnp.float32,
    )


def _fused_body(h_ref, w_ref, logits_ref, probs_ref, mask_ref):
    logits = jax.lax.dot_general(
        w_ref[...], h_ref[...], (((1,), (1,)), ((), ())),
        preferred_element_type=jnp.float32,
    )
    _route(logits, logits_ref, probs_ref, mask_ref)


def _tc_mm_half(h, W):
    nblk = THALF // BT
    return pl.pallas_call(
        _mm_body,
        grid=(nblk,),
        in_specs=[
            pl.BlockSpec((BT, D_DIM), lambda i: (i, 0)),
            pl.BlockSpec((E_EXP, D_DIM), lambda i: (0, 0)),
        ],
        out_specs=[pl.BlockSpec((E_EXP, BT), lambda i: (0, i))],
        out_shape=[jax.ShapeDtypeStruct((E_EXP, THALF), jnp.float32)],
        compiler_params=pltpu.CompilerParams(
            dimension_semantics=("arbitrary",),
        ),
    )(h, W)[0]


def _tc_fused_half(h, W):
    nblk = THALF // BT
    return pl.pallas_call(
        _fused_body,
        grid=(nblk,),
        in_specs=[
            pl.BlockSpec((BT, D_DIM), lambda i: (i + nblk, 0)),
            pl.BlockSpec((E_EXP, D_DIM), lambda i: (0, 0)),
        ],
        out_specs=[pl.BlockSpec((E_EXP, BT), lambda i: (0, i))] * 3,
        out_shape=[jax.ShapeDtypeStruct((E_EXP, THALF), jnp.float32)] * 3,
        compiler_params=pltpu.CompilerParams(
            dimension_semantics=("arbitrary",),
        ),
    )(h, W)



def _sc_group(accs):
    m1 = accs[0]
    for e in range(1, E_EXP):
        m1 = jnp.maximum(m1, accs[e])
    ex = [jnp.exp(a - m1) for a in accs]
    s = ex[0]
    for e in range(1, E_EXP):
        s = s + ex[e]
    probs = [x / s for x in ex]

    seen = jnp.zeros((L,), jnp.bool_)
    take1 = []
    for e in range(E_EXP):
        t = (accs[e] == m1) & (~seen)
        take1.append(t)
        seen = seen | t
    v2 = [jnp.where(take1[e], -jnp.inf, accs[e]) for e in range(E_EXP)]
    m2 = v2[0]
    for e in range(1, E_EXP):
        m2 = jnp.maximum(m2, v2[e])
    seen2 = jnp.zeros((L,), jnp.bool_)
    mask = []
    for e in range(E_EXP):
        t2 = (v2[e] == m2) & (~seen2)
        seen2 = seen2 | t2
        mask.append(jnp.where(take1[e] | t2, 1.0, 0.0).astype(jnp.float32))
    return probs, mask


def _sc_body(l_hbm, p_hbm, m_hbm, lbuf, pbuf, mbuf, sem):
    wid = lax.axis_index("s") * NC + lax.axis_index("c")
    wbase = wid * CW

    copy = pltpu.make_async_copy(l_hbm.at[:, pl.ds(wbase, CW)], lbuf, sem)
    copy.start()
    copy.wait()

    def gbody(g, carry):
        col = g * L
        accs = [lbuf[e, pl.ds(col, L)] for e in range(E_EXP)]
        probs, mask = _sc_group(accs)
        for e in range(E_EXP):
            pbuf[e, pl.ds(col, L)] = probs[e]
            mbuf[e, pl.ds(col, L)] = mask[e]
        return carry

    lax.fori_loop(0, CW // L, gbody, 0)

    pltpu.sync_copy(pbuf, p_hbm.at[:, pl.ds(wbase, CW)])
    pltpu.sync_copy(mbuf, m_hbm.at[:, pl.ds(wbase, CW)])


_sc_route = functools.partial(
    pl.kernel,
    out_type=[
        jax.ShapeDtypeStruct((E_EXP, THALF), jnp.float32),
        jax.ShapeDtypeStruct((E_EXP, THALF), jnp.float32),
    ],
    mesh=plsc.VectorSubcoreMesh(core_axis_name="c", subcore_axis_name="s"),
    compiler_params=pltpu.CompilerParams(
        use_tc_tiling_on_sc=False, needs_layout_passes=False
    ),
    scratch_types=[
        pltpu.VMEM((E_EXP, CW), jnp.float32),
        pltpu.VMEM((E_EXP, CW), jnp.float32),
        pltpu.VMEM((E_EXP, CW), jnp.float32),
        pltpu.SemaphoreType.DMA,
    ],
)(_sc_body)



@jax.jit
def kernel(h, W):
    la = _tc_mm_half(h, W)
    pa, ma = _sc_route(la)
    lb, pb, mb = _tc_fused_half(h, W)
    logits = jnp.concatenate([la, lb], axis=1).T
    probs = jnp.concatenate([pa, pb], axis=1).T
    mask = jnp.concatenate([ma, mb], axis=1).T.astype(bool)
    return (mask, probs, logits, logits)

# --- scband reference (transcript-rebuilt; emitter-appended) ---
"""Pipeline reference for scband-router-20306605375573 (READ-ONLY COPY).

The authoritative reference and input builder live on the scoring server;
editing this copy changes nothing except your own understanding.
"""

import jax, jax.numpy as jnp
import numpy as np

T = 32768
D = 1024
E = 8
K = 2


def setup_inputs(seed: int = 0) -> dict:
    key = jax.random.key(seed)
    k1, k2 = jax.random.split(key)
    h = jax.random.normal(k1, (T, D), dtype=jnp.float32)
    # eqx.nn.Linear(d_model, n_exp, use_bias=False) weight has shape (n_exp, d_model)
    W = jax.random.normal(k2, (E, D), dtype=jnp.float32) / np.sqrt(D)
    return {"h": h, "W": W}


def reference(h, W):
    # inference=True path (no gumbel noise), gumbel_tau=1.0, router_temp=1.0, select_temp=None
    logits_clean = h @ W.T  # vmap of Linear over tokens == matmul
    t_mix = jnp.clip(jnp.float32(1.0), 1e-06, None)
    probs = jax.nn.softmax(logits_clean / t_mix, axis=-1)
    t_sel = jnp.clip(jnp.float32(1.0), 1e-06, None)
    logits_sel = logits_clean / t_sel
    # _topk_mask
    _, idx = jax.lax.top_k(logits_sel, K)
    hard = jax.nn.one_hot(idx, logits_sel.shape[-1]).sum(axis=-2)
    mask_full = hard.astype(bool)
    return (mask_full, probs, logits_clean, logits_sel)

if __name__ == "__main__":
    import jax
    _d = setup_inputs()
    print(jax.jit(kernel)(*tuple(_d.values())))

</pallas_src>

<mosaic_0001>
#map = affine_map<(d0, d1) -> (0, 0)>
module attributes {stable_mosaic.version = 14 : i64} {
  func.func @_sc_body(%arg0: i32, %arg1: i32, %arg2: memref<8x16384xf32, #tpu.memory_space<hbm>>, %arg3: memref<8x16384xf32, #tpu.memory_space<hbm>>, %arg4: memref<8x16384xf32, #tpu.memory_space<hbm>>, %arg5: memref<8x512xf32, #tpu.memory_space<vmem>>, %arg6: memref<8x512xf32, #tpu.memory_space<vmem>>, %arg7: memref<8x512xf32, #tpu.memory_space<vmem>>, %arg8: memref<!tpu.dma_semaphore, #tpu.memory_space<semaphore_mem>>) attributes {dimension_semantics = [#tpu.dimension_semantics<core_parallel>, #tpu.dimension_semantics<subcore_parallel>], iteration_bounds = array<i64: 2, 16>, scalar_prefetch = 0 : i64, scratch_operands = 4 : i64, tpu.core_type = #tpu.core_type<sc_vector_subcore>, window_params = [{transform_indices = #map}, {transform_indices = #map}, {transform_indices = #map}]} {
    %mul3A = arith.constant 2 : i32
    %mul3A_0 = arith.muli %arg1, %mul3A : i32
    %add3A = arith.addi %mul3A_0, %arg0 : i32
    %mul3A_1 = arith.constant 512 : i32
    %mul3A_2 = arith.muli %add3A, %mul3A_1 : i32
    %dma_start3A = arith.constant 0 : i32
    %dma_start3A_3 = tpu.memref_slice %arg2[%dma_start3A, %mul3A_2] : memref<8x16384xf32, #tpu.memory_space<hbm>> -> memref<8x512xf32, #tpu.memory_space<hbm>>
    %dma_start3A_4 = arith.constant 0 : i32
    %dma_start3A_5 = tpu.memref_slice %arg2[%dma_start3A_4, %mul3A_2] : memref<8x16384xf32, #tpu.memory_space<hbm>> -> memref<8x512xf32, #tpu.memory_space<hbm>>
    tpu.enqueue_dma source(%dma_start3A_5 : memref<8x512xf32, #tpu.memory_space<hbm>>) target(%arg5 : memref<8x512xf32, #tpu.memory_space<vmem>>) target_semaphore(%arg8 : memref<!tpu.dma_semaphore, #tpu.memory_space<semaphore_mem>>)
    %dma_wait3A = arith.constant 0 : i32
    %dma_wait3A_6 = tpu.memref_slice %arg2[%dma_wait3A, %mul3A_2] : memref<8x16384xf32, #tpu.memory_space<hbm>> -> memref<8x512xf32, #tpu.memory_space<hbm>>
    %dma_wait3A_7 = arith.constant 0 : i32
    %dma_wait3A_8 = tpu.memref_slice %arg2[%dma_wait3A_7, %mul3A_2] : memref<8x16384xf32, #tpu.memory_space<hbm>> -> memref<8x512xf32, #tpu.memory_space<hbm>>
    tpu.wait_dma2 semaphore(%arg8 : memref<!tpu.dma_semaphore, #tpu.memory_space<semaphore_mem>>) src(%dma_wait3A_8 : memref<8x512xf32, #tpu.memory_space<hbm>>) dst(%arg5 : memref<8x512xf32, #tpu.memory_space<vmem>>)
    %scan3A = arith.constant 0 : i32
    %scan3A_9 = arith.constant 0 : i32
    %scan3A_10 = arith.constant 32 : i32
    %scan3A_11 = arith.addi %scan3A_9, %scan3A_10 : i32
    %scan3A_12 = arith.constant 1 : i32
    scf.for %scan3A_14 = %scan3A_9 to %scan3A_11 step %scan3A_12  : i32 {
      %mul3A_15 = arith.constant 16 : i32
      %mul3A_16 = arith.muli %scan3A_14, %mul3A_15 : i32
      %get3A = arith.constant 0 : i32
      %get3A_17 = arith.index_cast %get3A : i32 to index
      %get3A_18 = arith.index_cast %mul3A_16 : i32 to index
      %get3A_19 = tpu.vector_load %arg5[%get3A_17, %get3A_18] {strides = array<i32>} : memref<8x512xf32, #tpu.memory_space<vmem>>, vector<16xf32>,
      %get3A_20 = arith.constant 1 : i32
      %get3A_21 = arith.index_cast %get3A_20 : i32 to index
      %get3A_22 = arith.index_cast %mul3A_16 : i32 to index
      %get3A_23 = tpu.vector_load %arg5[%get3A_21, %get3A_22] {strides = array<i32>} : memref<8x512xf32, #tpu.memory_space<vmem>>, vector<16xf32>,
      %get3A_24 = arith.constant 2 : i32
      %get3A_25 = arith.index_cast %get3A_24 : i32 to index
      %get3A_26 = arith.index_cast %mul3A_16 : i32 to index
      %get3A_27 = tpu.vector_load %arg5[%get3A_25, %get3A_26] {strides = array<i32>} : memref<8x512xf32, #tpu.memory_space<vmem>>, vector<16xf32>,
      %get3A_28 = arith.constant 3 : i32
      %get3A_29 = arith.index_cast %get3A_28 : i32 to index
      %get3A_30 = arith.index_cast %mul3A_16 : i32 to index
      %get3A_31 = tpu.vector_load %arg5[%get3A_29, %get3A_30] {strides = array<i32>} : memref<8x512xf32, #tpu.memory_space<vmem>>, vector<16xf32>,
      %get3A_32 = arith.constant 4 : i32
      %get3A_33 = arith.index_cast %get3A_32 : i32 to index
      %get3A_34 = arith.index_cast %mul3A_16 : i32 to index
      %get3A_35 = tpu.vector_load %arg5[%get3A_33, %get3A_34] {strides = array<i32>} : memref<8x512xf32, #tpu.memory_space<vmem>>, vector<16xf32>,
      %get3A_36 = arith.constant 5 : i32
      %get3A_37 = arith.index_cast %get3A_36 : i32 to index
      %get3A_38 = arith.index_cast %mul3A_16 : i32 to index
      %get3A_39 = tpu.vector_load %arg5[%get3A_37, %get3A_38] {strides = array<i32>} : memref<8x512xf32, #tpu.memory_space<vmem>>, vector<16xf32>,
      %get3A_40 = arith.constant 6 : i32
      %get3A_41 = arith.index_cast %get3A_40 : i32 to index
      %get3A_42 = arith.index_cast %mul3A_16 : i32 to index
      %get3A_43 = tpu.vector_load %arg5[%get3A_41, %get3A_42] {strides = array<i32>} : memref<8x512xf32, #tpu.memory_space<vmem>>, vector<16xf32>,
      %get3A_44 = arith.constant 7 : i32
      %get3A_45 = arith.index_cast %get3A_44 : i32 to index
      %get3A_46 = arith.index_cast %mul3A_16 : i32 to index
      %get3A_47 = tpu.vector_load %arg5[%get3A_45, %get3A_46] {strides = array<i32>} : memref<8x512xf32, #tpu.memory_space<vmem>>, vector<16xf32>,
      %max3A = arith.maximumf %get3A_19, %get3A_23 : vector<16xf32>
      %max3A_48 = arith.maximumf %max3A, %get3A_27 : vector<16xf32>
      %max3A_49 = arith.maximumf %max3A_48, %get3A_31 : vector<16xf32>
      %max3A_50 = arith.maximumf %max3A_49, %get3A_35 : vector<16xf32>
      %max3A_51 = arith.maximumf %max3A_50, %get3A_39 : vector<16xf32>
      %max3A_52 = arith.maximumf %max3A_51, %get3A_43 : vector<16xf32>
      %max3A_53 = arith.maximumf %max3A_52, %get3A_47 : vector<16xf32>
      %sub3A = arith.subf %get3A_19, %max3A_53 : vector<16xf32>
      %exp3A = math.exp %sub3A : vector<16xf32>
      %sub3A_54 = arith.subf %get3A_23, %max3A_53 : vector<16xf32>
      %exp3A_55 = math.exp %sub3A_54 : vector<16xf32>
      %sub3A_56 = arith.subf %get3A_27, %max3A_53 : vector<16xf32>
      %exp3A_57 = math.exp %sub3A_56 : vector<16xf32>
      %sub3A_58 = arith.subf %get3A_31, %max3A_53 : vector<16xf32>
      %exp3A_59 = math.exp %sub3A_58 : vector<16xf32>
      %sub3A_60 = arith.subf %get3A_35, %max3A_53 : vector<16xf32>
      %exp3A_61 = math.exp %sub3A_60 : vector<16xf32>
      %sub3A_62 = arith.subf %get3A_39, %max3A_53 : vector<16xf32>
      %exp3A_63 = math.exp %sub3A_62 : vector<16xf32>
      %sub3A_64 = arith.subf %get3A_43, %max3A_53 : vector<16xf32>
      %exp3A_65 = math.exp %sub3A_64 : vector<16xf32>
      %sub3A_66 = arith.subf %get3A_47, %max3A_53 : vector<16xf32>
      %exp3A_67 = math.exp %sub3A_66 : vector<16xf32>
      %add3A_68 = arith.addf %exp3A, %exp3A_55 : vector<16xf32>
      %add3A_69 = arith.addf %add3A_68, %exp3A_57 : vector<16xf32>
      %add3A_70 = arith.addf %add3A_69, %exp3A_59 : vector<16xf32>
      %add3A_71 = arith.addf %add3A_70, %exp3A_61 : vector<16xf32>
      %add3A_72 = arith.addf %add3A_71, %exp3A_63 : vector<16xf32>
      %add3A_73 = arith.addf %add3A_72, %exp3A_65 : vector<16xf32>
      %add3A_74 = arith.addf %add3A_73, %exp3A_67 : vector<16xf32>
      %div3A = arith.divf %exp3A, %add3A_74 : vector<16xf32>
      %div3A_75 = arith.divf %exp3A_55, %add3A_74 : vector<16xf32>
      %div3A_76 = arith.divf %exp3A_57, %add3A_74 : vector<16xf32>
      %div3A_77 = arith.divf %exp3A_59, %add3A_74 : vector<16xf32>
      %div3A_78 = arith.divf %exp3A_61, %add3A_74 : vector<16xf32>
      %div3A_79 = arith.divf %exp3A_63, %add3A_74 : vector<16xf32>
      %div3A_80 = arith.divf %exp3A_65, %add3A_74 : vector<16xf32>
      %div3A_81 = arith.divf %exp3A_67, %add3A_74 : vector<16xf32>
      %broadcast_in_dim3A = arith.constant false
      %broadcast_in_dim3A_82 = vector.broadcast %broadcast_in_dim3A : i1 to vector<16xi1>
      %eq3A = arith.cmpf oeq, %get3A_19, %max3A_53 : vector<16xf32>
      %not3A = arith.constant dense<true> : vector<16xi1>
      %not3A_83 = arith.xori %broadcast_in_dim3A_82, %not3A : vector<16xi1>
      %and3A = arith.andi %eq3A, %not3A_83 : vector<16xi1>
      %or3A = arith.ori %broadcast_in_dim3A_82, %and3A : vector<16xi1>
      %eq3A_84 = arith.cmpf oeq, %get3A_23, %max3A_53 : vector<16xf32>
      %not3A_85 = arith.constant dense<true> : vector<16xi1>
      %not3A_86 = arith.xori %or3A, %not3A_85 : vector<16xi1>
      %and3A_87 = arith.andi %eq3A_84, %not3A_86 : vector<16xi1>
      %or3A_88 = arith.ori %or3A, %and3A_87 : vector<16xi1>
      %eq3A_89 = arith.cmpf oeq, %get3A_27, %max3A_53 : vector<16xf32>
      %not3A_90 = arith.constant dense<true> : vector<16xi1>
      %not3A_91 = arith.xori %or3A_88, %not3A_90 : vector<16xi1>
      %and3A_92 = arith.andi %eq3A_89, %not3A_91 : vector<16xi1>
      %or3A_93 = arith.ori %or3A_88, %and3A_92 : vector<16xi1>
      %eq3A_94 = arith.cmpf oeq, %get3A_31, %max3A_53 : vector<16xf32>
      %not3A_95 = arith.constant dense<true> : vector<16xi1>
      %not3A_96 = arith.xori %or3A_93, %not3A_95 : vector<16xi1>
      %and3A_97 = arith.andi %eq3A_94, %not3A_96 : vector<16xi1>
      %or3A_98 = arith.ori %or3A_93, %and3A_97 : vector<16xi1>
      %eq3A_99 = arith.cmpf oeq, %get3A_35, %max3A_53 : vector<16xf32>
      %not3A_100 = arith.constant dense<true> : vector<16xi1>
      %not3A_101 = arith.xori %or3A_98, %not3A_100 : vector<16xi1>
      %and3A_102 = arith.andi %eq3A_99, %not3A_101 : vector<16xi1>
      %or3A_103 = arith.ori %or3A_98, %and3A_102 : vector<16xi1>
      %eq3A_104 = arith.cmpf oeq, %get3A_39, %max3A_53 : vector<16xf32>
      %not3A_105 = arith.constant dense<true> : vector<16xi1>
      %not3A_106 = arith.xori %or3A_103, %not3A_105 : vector<16xi1>
      %and3A_107 = arith.andi %eq3A_104, %not3A_106 : vector<16xi1>
      %or3A_108 = arith.ori %or3A_103, %and3A_107 : vector<16xi1>
      %eq3A_109 = arith.cmpf oeq, %get3A_43, %max3A_53 : vector<16xf32>
      %not3A_110 = arith.constant dense<true> : vector<16xi1>
      %not3A_111 = arith.xori %or3A_108, %not3A_110 : vector<16xi1>
      %and3A_112 = arith.andi %eq3A_109, %not3A_111 : vector<16xi1>
      %or3A_113 = arith.ori %or3A_108, %and3A_112 : vector<16xi1>
      %eq3A_114 = arith.cmpf oeq, %get3A_47, %max3A_53 : vector<16xf32>
      %not3A_115 = arith.constant dense<true> : vector<16xi1>
      %not3A_116 = arith.xori %or3A_113, %not3A_115 : vector<16xi1>
      %and3A_117 = arith.andi %eq3A_114, %not3A_116 : vector<16xi1>
      %or3A_118 = arith.ori %or3A_113, %and3A_117 : vector<16xi1>
      %jit3A = arith.constant 0xFF800000 : f32
      %broadcast_in_dim3A_119 = vector.broadcast %jit3A : f32 to vector<16xf32>
      %select_n3A = arith.select %and3A, %broadcast_in_dim3A_119, %get3A_19 : vector<16xi1>, vector<16xf32>
      %jit3A_120 = arith.constant 0xFF800000 : f32
      %broadcast_in_dim3A_121 = vector.broadcast %jit3A_120 : f32 to vector<16xf32>
      %select_n3A_122 = arith.select %and3A_87, %broadcast_in_dim3A_121, %get3A_23 : vector<16xi1>, vector<16xf32>
      %jit3A_123 = arith.constant 0xFF800000 : f32
      %broadcast_in_dim3A_124 = vector.broadcast %jit3A_123 : f32 to vector<16xf32>
      %select_n3A_125 = arith.select %and3A_92, %broadcast_in_dim3A_124, %get3A_27 : vector<16xi1>, vector<16xf32>
      %jit3A_126 = arith.constant 0xFF800000 : f32
      %broadcast_in_dim3A_127 = vector.broadcast %jit3A_126 : f32 to vector<16xf32>
      %select_n3A_128 = arith.select %and3A_97, %broadcast_in_dim3A_127, %get3A_31 : vector<16xi1>, vector<16xf32>
      %jit3A_129 = arith.constant 0xFF800000 : f32
      %broadcast_in_dim3A_130 = vector.broadcast %jit3A_129 : f32 to vector<16xf32>
      %select_n3A_131 = arith.select %and3A_102, %broadcast_in_dim3A_130, %get3A_35 : vector<16xi1>, vector<16xf32>
      %jit3A_132 = arith.constant 0xFF800000 : f32
      %broadcast_in_dim3A_133 = vector.broadcast %jit3A_132 : f32 to vector<16xf32>
      %select_n3A_134 = arith.select %and3A_107, %broadcast_in_dim3A_133, %get3A_39 : vector<16xi1>, vector<16xf32>
      %jit3A_135 = arith.constant 0xFF800000 : f32
      %broadcast_in_dim3A_136 = vector.broadcast %jit3A_135 : f32 to vector<16xf32>
      %select_n3A_137 = arith.select %and3A_112, %broadcast_in_dim3A_136, %get3A_43 : vector<16xi1>, vector<16xf32>
      %jit3A_138 = arith.constant 0xFF800000 : f32
      %broadcast_in_dim3A_139 = vector.broadcast %jit3A_138 : f32 to vector<16xf32>
      %select_n3A_140 = arith.select %and3A_117, %broadcast_in_dim3A_139, %get3A_47 : vector<16xi1>, vector<16xf32>
      %max3A_141 = arith.maximumf %select_n3A, %select_n3A_122 : vector<16xf32>
      %max3A_142 = arith.maximumf %max3A_141, %select_n3A_125 : vector<16xf32>
      %max3A_143 = arith.maximumf %max3A_142, %select_n3A_128 : vector<16xf32>
      %max3A_144 = arith.maximumf %max3A_143, %select_n3A_131 : vector<16xf32>
      %max3A_145 = arith.maximumf %max3A_144, %select_n3A_134 : vector<16xf32>
      %max3A_146 = arith.maximumf %max3A_145, %select_n3A_137 : vector<16xf32>
      %max3A_147 = arith.maximumf %max3A_146, %select_n3A_140 : vector<16xf32>
      %broadcast_in_dim3A_148 = arith.constant false
      %broadcast_in_dim3A_149 = vector.broadcast %broadcast_in_dim3A_148 : i1 to vector<16xi1>
      %eq3A_150 = arith.cmpf oeq, %select_n3A, %max3A_147 : vector<16xf32>
      %not3A_151 = arith.constant dense<true> : vector<16xi1>
      %not3A_152 = arith.xori %broadcast_in_dim3A_149, %not3A_151 : vector<16xi1>
      %and3A_153 = arith.andi %eq3A_150, %not3A_152 : vector<16xi1>
      %or3A_154 = arith.ori %broadcast_in_dim3A_149, %and3A_153 : vector<16xi1>
      %or3A_155 = arith.ori %and3A, %and3A_153 : vector<16xi1>
      %jit3A_156 = arith.constant 1.000000e+00 : f32
      %jit3A_157 = arith.constant 0.000000e+00 : f32
      %broadcast_in_dim3A_158 = vector.broadcast %jit3A_156 : f32 to vector<16xf32>
      %broadcast_in_dim3A_159 = vector.broadcast %jit3A_157 : f32 to vector<16xf32>
      %select_n3A_160 = arith.select %or3A_155, %broadcast_in_dim3A_158, %broadcast_in_dim3A_159 : vector<16xi1>, vector<16xf32>
      %eq3A_161 = arith.cmpf oeq, %select_n3A_122, %max3A_147 : vector<16xf32>
      %not3A_162 = arith.constant dense<true> : vector<16xi1>
      %not3A_163 = arith.xori %or3A_154, %not3A_162 : vector<16xi1>
      %and3A_164 = arith.andi %eq3A_161, %not3A_163 : vector<16xi1>
      %or3A_165 = arith.ori %or3A_154, %and3A_164 : vector<16xi1>
      %or3A_166 = arith.ori %and3A_87, %and3A_164 : vector<16xi1>
      %jit3A_167 = arith.constant 1.000000e+00 : f32
      %jit3A_168 = arith.constant 0.000000e+00 : f32
      %broadcast_in_dim3A_169 = vector.broadcast %jit3A_167 : f32 to vector<16xf32>
      %broadcast_in_dim3A_170 = vector.broadcast %jit3A_168 : f32 to vector<16xf32>
      %select_n3A_171 = arith.select %or3A_166, %broadcast_in_dim3A_169, %broadcast_in_dim3A_170 : vector<16xi1>, vector<16xf32>
      %eq3A_172 = arith.cmpf oeq, %select_n3A_125, %max3A_147 : vector<16xf32>
      %not3A_173 = arith.constant dense<true> : vector<16xi1>
      %not3A_174 = arith.xori %or3A_165, %not3A_173 : vector<16xi1>
      %and3A_175 = arith.andi %eq3A_172, %not3A_174 : vector<16xi1>
      %or3A_176 = arith.ori %or3A_165, %and3A_175 : vector<16xi1>
      %or3A_177 = arith.ori %and3A_92, %and3A_175 : vector<16xi1>
      %jit3A_178 = arith.constant 1.000000e+00 : f32
      %jit3A_179 = arith.constant 0.000000e+00 : f32
      %broadcast_in_dim3A_180 = vector.broadcast %jit3A_178 : f32 to vector<16xf32>
      %broadcast_in_dim3A_181 = vector.broadcast %jit3A_179 : f32 to vector<16xf32>
      %select_n3A_182 = arith.select %or3A_177, %broadcast_in_dim3A_180, %broadcast_in_dim3A_181 : vector<16xi1>, vector<16xf32>
      %eq3A_183 = arith.cmpf oeq, %select_n3A_128, %max3A_147 : vector<16xf32>
      %not3A_184 = arith.constant dense<true> : vector<16xi1>
      %not3A_185 = arith.xori %or3A_176, %not3A_184 : vector<16xi1>
      %and3A_186 = arith.andi %eq3A_183, %not3A_185 : vector<16xi1>
      %or3A_187 = arith.ori %or3A_176, %and3A_186 : vector<16xi1>
      %or3A_188 = arith.ori %and3A_97, %and3A_186 : vector<16xi1>
      %jit3A_189 = arith.constant 1.000000e+00 : f32
      %jit3A_190 = arith.constant 0.000000e+00 : f32
      %broadcast_in_dim3A_191 = vector.broadcast %jit3A_189 : f32 to vector<16xf32>
      %broadcast_in_dim3A_192 = vector.broadcast %jit3A_190 : f32 to vector<16xf32>
      %select_n3A_193 = arith.select %or3A_188, %broadcast_in_dim3A_191, %broadcast_in_dim3A_192 : vector<16xi1>, vector<16xf32>
      %eq3A_194 = arith.cmpf oeq, %select_n3A_131, %max3A_147 : vector<16xf32>
      %not3A_195 = arith.constant dense<true> : vector<16xi1>
      %not3A_196 = arith.xori %or3A_187, %not3A_195 : vector<16xi1>
      %and3A_197 = arith.andi %eq3A_194, %not3A_196 : vector<16xi1>
      %or3A_198 = arith.ori %or3A_187, %and3A_197 : vector<16xi1>
      %or3A_199 = arith.ori %and3A_102, %and3A_197 : vector<16xi1>
      %jit3A_200 = arith.constant 1.000000e+00 : f32
      %jit3A_201 = arith.constant 0.000000e+00 : f32
      %broadcast_in_dim3A_202 = vector.broadcast %jit3A_200 : f32 to vector<16xf32>
      %broadcast_in_dim3A_203 = vector.broadcast %jit3A_201 : f32 to vector<16xf32>
      %select_n3A_204 = arith.select %or3A_199, %broadcast_in_dim3A_202, %broadcast_in_dim3A_203 : vector<16xi1>, vector<16xf32>
      %eq3A_205 = arith.cmpf oeq, %select_n3A_134, %max3A_147 : vector<16xf32>
      %not3A_206 = arith.constant dense<true> : vector<16xi1>
      %not3A_207 = arith.xori %or3A_198, %not3A_206 : vector<16xi1>
      %and3A_208 = arith.andi %eq3A_205, %not3A_207 : vector<16xi1>
      %or3A_209 = arith.ori %or3A_198, %and3A_208 : vector<16xi1>
      %or3A_210 = arith.ori %and3A_107, %and3A_208 : vector<16xi1>
      %jit3A_211 = arith.constant 1.000000e+00 : f32
      %jit3A_212 = arith.constant 0.000000e+00 : f32
      %broadcast_in_dim3A_213 = vector.broadcast %jit3A_211 : f32 to vector<16xf32>
      %broadcast_in_dim3A_214 = vector.broadcast %jit3A_212 : f32 to vector<16xf32>
      %select_n3A_215 = arith.select %or3A_210, %broadcast_in_dim3A_213, %broadcast_in_dim3A_214 : vector<16xi1>, vector<16xf32>
      %eq3A_216 = arith.cmpf oeq, %select_n3A_137, %max3A_147 : vector<16xf32>
      %not3A_217 = arith.constant dense<true> : vector<16xi1>
      %not3A_218 = arith.xori %or3A_209, %not3A_217 : vector<16xi1>
      %and3A_219 = arith.andi %eq3A_216, %not3A_218 : vector<16xi1>
      %or3A_220 = arith.ori %or3A_209, %and3A_219 : vector<16xi1>
      %or3A_221 = arith.ori %and3A_112, %and3A_219 : vector<16xi1>
      %jit3A_222 = arith.constant 1.000000e+00 : f32
      %jit3A_223 = arith.constant 0.000000e+00 : f32
      %broadcast_in_dim3A_224 = vector.broadcast %jit3A_222 : f32 to vector<16xf32>
      %broadcast_in_dim3A_225 = vector.broadcast %jit3A_223 : f32 to vector<16xf32>
      %select_n3A_226 = arith.select %or3A_221, %broadcast_in_dim3A_224, %broadcast_in_dim3A_225 : vector<16xi1>, vector<16xf32>
      %eq3A_227 = arith.cmpf oeq, %select_n3A_140, %max3A_147 : vector<16xf32>
      %not3A_228 = arith.constant dense<true> : vector<16xi1>
      %not3A_229 = arith.xori %or3A_220, %not3A_228 : vector<16xi1>
      %and3A_230 = arith.andi %eq3A_227, %not3A_229 : vector<16xi1>
      %or3A_231 = arith.ori %or3A_220, %and3A_230 : vector<16xi1>
      %or3A_232 = arith.ori %and3A_117, %and3A_230 : vector<16xi1>
      %jit3A_233 = arith.constant 1.000000e+00 : f32
      %jit3A_234 = arith.constant 0.000000e+00 : f32
      %broadcast_in_dim3A_235 = vector.broadcast %jit3A_233 : f32 to vector<16xf32>
      %broadcast_in_dim3A_236 = vector.broadcast %jit3A_234 : f32 to vector<16xf32>
      %select_n3A_237 = arith.select %or3A_232, %broadcast_in_dim3A_235, %broadcast_in_dim3A_236 : vector<16xi1>, vector<16xf32>
      %swap3A = arith.constant 0 : i32
      %swap3A_238 = arith.index_cast %swap3A : i32 to index
      %swap3A_239 = arith.index_cast %mul3A_16 : i32 to index
      %swap3A_240 = tpu.vector_load %arg6[%swap3A_238, %swap3A_239] {strides = array<i32>} : memref<8x512xf32, #tpu.memory_space<vmem>>, vector<16xf32>,
      tpu.vector_store %arg6[%swap3A_238, %swap3A_239], %div3A {strides = array<i32>} : memref<8x512xf32, #tpu.memory_space<vmem>>, vector<16xf32>,
      %swap3A_241 = arith.constant 0 : i32
      %swap3A_242 = arith.index_cast %swap3A_241 : i32 to index
      %swap3A_243 = arith.index_cast %mul3A_16 : i32 to index
      %swap3A_244 = tpu.vector_load %arg7[%swap3A_242, %swap3A_243] {strides = array<i32>} : memref<8x512xf32, #tpu.memory_space<vmem>>, vector<16xf32>,
      tpu.vector_store %arg7[%swap3A_242, %swap3A_243], %select_n3A_160 {strides = array<i32>} : memref<8x512xf32, #tpu.memory_space<vmem>>, vector<16xf32>,
      %swap3A_245 = arith.constant 1 : i32
      %swap3A_246 = arith.index_cast %swap3A_245 : i32 to index
      %swap3A_247 = arith.index_cast %mul3A_16 : i32 to index
      %swap3A_248 = tpu.vector_load %arg6[%swap3A_246, %swap3A_247] {strides = array<i32>} : memref<8x512xf32, #tpu.memory_space<vmem>>, vector<16xf32>,
      tpu.vector_store %arg6[%swap3A_246, %swap3A_247], %div3A_75 {strides = array<i32>} : memref<8x512xf32, #tpu.memory_space<vmem>>, vector<16xf32>,
      %swap3A_249 = arith.constant 1 : i32
      %swap3A_250 = arith.index_cast %swap3A_249 : i32 to index
      %swap3A_251 = arith.index_cast %mul3A_16 : i32 to index
      %swap3A_252 = tpu.vector_load %arg7[%swap3A_250, %swap3A_251] {strides = array<i32>} : memref<8x512xf32, #tpu.memory_space<vmem>>, vector<16xf32>,
      tpu.vector_store %arg7[%swap3A_250, %swap3A_251], %select_n3A_171 {strides = array<i32>} : memref<8x512xf32, #tpu.memory_space<vmem>>, vector<16xf32>,
      %swap3A_253 = arith.constant 2 : i32
      %swap3A_254 = arith.index_cast %swap3A_253 : i32 to index
      %swap3A_255 = arith.index_cast %mul3A_16 : i32 to index
      %swap3A_256 = tpu.vector_load %arg6[%swap3A_254, %swap3A_255] {strides = array<i32>} : memref<8x512xf32, #tpu.memory_space<vmem>>, vector<16xf32>,
      tpu.vector_store %arg6[%swap3A_254, %swap3A_255], %div3A_76 {strides = array<i32>} : memref<8x512xf32, #tpu.memory_space<vmem>>, vector<16xf32>,
      %swap3A_257 = arith.constant 2 : i32
      %swap3A_258 = arith.index_cast %swap3A_257 : i32 to index
      %swap3A_259 = arith.index_cast %mul3A_16 : i32 to index
      %swap3A_260 = tpu.vector_load %arg7[%swap3A_258, %swap3A_259] {strides = array<i32>} : memref<8x512xf32, #tpu.memory_space<vmem>>, vector<16xf32>,
      tpu.vector_store %arg7[%swap3A_258, %swap3A_259], %select_n3A_182 {strides = array<i32>} : memref<8x512xf32, #tpu.memory_space<vmem>>, vector<16xf32>,
      %swap3A_261 = arith.constant 3 : i32
      %swap3A_262 = arith.index_cast %swap3A_261 : i32 to index
      %swap3A_263 = arith.index_cast %mul3A_16 : i32 to index
      %swap3A_264 = tpu.vector_load %arg6[%swap3A_262, %swap3A_263] {strides = array<i32>} : memref<8x512xf32, #tpu.memory_space<vmem>>, vector<16xf32>,
      tpu.vector_store %arg6[%swap3A_262, %swap3A_263], %div3A_77 {strides = array<i32>} : memref<8x512xf32, #tpu.memory_space<vmem>>, vector<16xf32>,
      %swap3A_265 = arith.constant 3 : i32
      %swap3A_266 = arith.index_cast %swap3A_265 : i32 to index
      %swap3A_267 = arith.index_cast %mul3A_16 : i32 to index
      %swap3A_268 = tpu.vector_load %arg7[%swap3A_266, %swap3A_267] {strides = array<i32>} : memref<8x512xf32, #tpu.memory_space<vmem>>, vector<16xf32>,
      tpu.vector_store %arg7[%swap3A_266, %swap3A_267], %select_n3A_193 {strides = array<i32>} : memref<8x512xf32, #tpu.memory_space<vmem>>, vector<16xf32>,
      %swap3A_269 = arith.constant 4 : i32
      %swap3A_270 = arith.index_cast %swap3A_269 : i32 to index
      %swap3A_271 = arith.index_cast %mul3A_16 : i32 to index
      %swap3A_272 = tpu.vector_load %arg6[%swap3A_270, %swap3A_271] {strides = array<i32>} : memref<8x512xf32, #tpu.memory_space<vmem>>, vector<16xf32>,
      tpu.vector_store %arg6[%swap3A_270, %swap3A_271], %div3A_78 {strides = array<i32>} : memref<8x512xf32, #tpu.memory_space<vmem>>, vector<16xf32>,
      %swap3A_273 = arith.constant 4 : i32
      %swap3A_274 = arith.index_cast %swap3A_273 : i32 to index
      %swap3A_275 = arith.index_cast %mul3A_16 : i32 to index
      %swap3A_276 = tpu.vector_load %arg7[%swap3A_274, %swap3A_275] {strides = array<i32>} : memref<8x512xf32, #tpu.memory_space<vmem>>, vector<16xf32>,
      tpu.vector_store %arg7[%swap3A_274, %swap3A_275], %select_n3A_204 {strides = array<i32>} : memref<8x512xf32, #tpu.memory_space<vmem>>, vector<16xf32>,
      %swap3A_277 = arith.constant 5 : i32
      %swap3A_278 = arith.index_cast %swap3A_277 : i32 to index
      %swap3A_279 = arith.index_cast %mul3A_16 : i32 to index
      %swap3A_280 = tpu.vector_load %arg6[%swap3A_278, %swap3A_279] {strides = array<i32>} : memref<8x512xf32, #tpu.memory_space<vmem>>, vector<16xf32>,
      tpu.vector_store %arg6[%swap3A_278, %swap3A_279], %div3A_79 {strides = array<i32>} : memref<8x512xf32, #tpu.memory_space<vmem>>, vector<16xf32>,
      %swap3A_281 = arith.constant 5 : i32
      %swap3A_282 = arith.index_cast %swap3A_281 : i32 to index
      %swap3A_283 = arith.index_cast %mul3A_16 : i32 to index
      %swap3A_284 = tpu.vector_load %arg7[%swap3A_282, %swap3A_283] {strides = array<i32>} : memref<8x512xf32, #tpu.memory_space<vmem>>, vector<16xf32>,
      tpu.vector_store %arg7[%swap3A_282, %swap3A_283], %select_n3A_215 {strides = array<i32>} : memref<8x512xf32, #tpu.memory_space<vmem>>, vector<16xf32>,
      %swap3A_285 = arith.constant 6 : i32
      %swap3A_286 = arith.index_cast %swap3A_285 : i32 to index
      %swap3A_287 = arith.index_cast %mul3A_16 : i32 to index
      %swap3A_288 = tpu.vector_load %arg6[%swap3A_286, %swap3A_287] {strides = array<i32>} : memref<8x512xf32, #tpu.memory_space<vmem>>, vector<16xf32>,
      tpu.vector_store %arg6[%swap3A_286, %swap3A_287], %div3A_80 {strides = array<i32>} : memref<8x512xf32, #tpu.memory_space<vmem>>, vector<16xf32>,
      %swap3A_289 = arith.constant 6 : i32
      %swap3A_290 = arith.index_cast %swap3A_289 : i32 to index
      %swap3A_291 = arith.index_cast %mul3A_16 : i32 to index
      %swap3A_292 = tpu.vector_load %arg7[%swap3A_290, %swap3A_291] {strides = array<i32>} : memref<8x512xf32, #tpu.memory_space<vmem>>, vector<16xf32>,
      tpu.vector_store %arg7[%swap3A_290, %swap3A_291], %select_n3A_226 {strides = array<i32>} : memref<8x512xf32, #tpu.memory_space<vmem>>, vector<16xf32>,
      %swap3A_293 = arith.constant 7 : i32
      %swap3A_294 = arith.index_cast %swap3A_293 : i32 to index
      %swap3A_295 = arith.index_cast %mul3A_16 : i32 to index
      %swap3A_296 = tpu.vector_load %arg6[%swap3A_294, %swap3A_295] {strides = array<i32>} : memref<8x512xf32, #tpu.memory_space<vmem>>, vector<16xf32>,
      tpu.vector_store %arg6[%swap3A_294, %swap3A_295], %div3A_81 {strides = array<i32>} : memref<8x512xf32, #tpu.memory_space<vmem>>, vector<16xf32>,
      %swap3A_297 = arith.constant 7 : i32
      %swap3A_298 = arith.index_cast %swap3A_297 : i32 to index
      %swap3A_299 = arith.index_cast %mul3A_16 : i32 to index
      %swap3A_300 = tpu.vector_load %arg7[%swap3A_298, %swap3A_299] {strides = array<i32>} : memref<8x512xf32, #tpu.memory_space<vmem>>, vector<16xf32>,
      tpu.vector_store %arg7[%swap3A_298, %swap3A_299], %select_n3A_237 {strides = array<i32>} : memref<8x512xf32, #tpu.memory_space<vmem>>, vector<16xf32>,
    }
    %scan3A_13 = arith.constant 32 : i32
    "tpu.region"() ({
      %run_scoped3A = tpu.sem_alloc : memref<!tpu.dma_semaphore, #tpu.memory_space<semaphore_mem>>
      %dma_start3A_14 = arith.constant 0 : i32
      %dma_start3A_15 = tpu.memref_slice %arg3[%dma_start3A_14, %mul3A_2] : memref<8x16384xf32, #tpu.memory_space<hbm>> -> memref<8x512xf32, #tpu.memory_space<hbm>>
      %dma_start3A_16 = arith.constant 0 : i32
      %dma_start3A_17 = tpu.memref_slice %arg3[%dma_start3A_16, %mul3A_2] : memref<8x16384xf32, #tpu.memory_space<hbm>> -> memref<8x512xf32, #tpu.memory_space<hbm>>
      tpu.enqueue_dma source(%arg6 : memref<8x512xf32, #tpu.memory_space<vmem>>) target(%dma_start3A_17 : memref<8x512xf32, #tpu.memory_space<hbm>>) target_semaphore(%run_scoped3A : memref<!tpu.dma_semaphore, #tpu.memory_space<semaphore_mem>>)
      %dma_wait3A_18 = arith.constant 0 : i32
      %dma_wait3A_19 = tpu.memref_slice %arg3[%dma_wait3A_18, %mul3A_2] : memref<8x16384xf32, #tpu.memory_space<hbm>> -> memref<8x512xf32, #tpu.memory_space<hbm>>
      %dma_wait3A_20 = arith.constant 0 : i32
      %dma_wait3A_21 = tpu.memref_slice %arg3[%dma_wait3A_20, %mul3A_2] : memref<8x16384xf32, #tpu.memory_space<hbm>> -> memref<8x512xf32, #tpu.memory_space<hbm>>
      tpu.wait_dma2 semaphore(%run_scoped3A : memref<!tpu.dma_semaphore, #tpu.memory_space<semaphore_mem>>) src(%arg6 : memref<8x512xf32, #tpu.memory_space<vmem>>) dst(%dma_wait3A_21 : memref<8x512xf32, #tpu.memory_space<hbm>>)
      tpu.yield
    }) : () -> ()
    "tpu.region"() ({
      %run_scoped3A = tpu.sem_alloc : memref<!tpu.dma_semaphore, #tpu.memory_space<semaphore_mem>>
      %dma_start3A_14 = arith.constant 0 : i32
      %dma_start3A_15 = tpu.memref_slice %arg4[%dma_start3A_14, %mul3A_2] : memref<8x16384xf32, #tpu.memory_space<hbm>> -> memref<8x512xf32, #tpu.memory_space<hbm>>
      %dma_start3A_16 = arith.constant 0 : i32
      %dma_start3A_17 = tpu.memref_slice %arg4[%dma_start3A_16, %mul3A_2] : memref<8x16384xf32, #tpu.memory_space<hbm>> -> memref<8x512xf32, #tpu.memory_space<hbm>>
      tpu.enqueue_dma source(%arg7 : memref<8x512xf32, #tpu.memory_space<vmem>>) target(%dma_start3A_17 : memref<8x512xf32, #tpu.memory_space<hbm>>) target_semaphore(%run_scoped3A : memref<!tpu.dma_semaphore, #tpu.memory_space<semaphore_mem>>)
      %dma_wait3A_18 = arith.constant 0 : i32
      %dma_wait3A_19 = tpu.memref_slice %arg4[%dma_wait3A_18, %mul3A_2] : memref<8x16384xf32, #tpu.memory_space<hbm>> -> memref<8x512xf32, #tpu.memory_space<hbm>>
      %dma_wait3A_20 = arith.constant 0 : i32
      %dma_wait3A_21 = tpu.memref_slice %arg4[%dma_wait3A_20, %mul3A_2] : memref<8x16384xf32, #tpu.memory_space<hbm>> -> memref<8x512xf32, #tpu.memory_space<hbm>>
      tpu.wait_dma2 semaphore(%run_scoped3A : memref<!tpu.dma_semaphore, #tpu.memory_space<semaphore_mem>>) src(%arg7 : memref<8x512xf32, #tpu.memory_space<vmem>>) dst(%dma_wait3A_21 : memref<8x512xf32, #tpu.memory_space<hbm>>)
      tpu.yield
    }) : () -> ()
    return
  }
}

module attributes {stable_mosaic.version = 14 : i64} {
  func.func @_fused_body(%arg0: i32, %arg1: memref<2048x1024xf32, #tpu.memory_space<vmem>>, %arg2: memref<8x1024xf32, #tpu.memory_space<vmem>>, %arg3: memref<8x2048xf32, #tpu.memory_space<vmem>>, %arg4: memref<8x2048xf32, #tpu.memory_space<vmem>>, %arg5: memref<8x2048xf32, #tpu.memory_space<vmem>>) attributes {dimension_semantics = [#tpu.dimension_semantics<arbitrary>], iteration_bounds = array<i64: 8>, scalar_prefetch = 0 : i64, scratch_operands = 0 : i64, tpu.core_type = #tpu.core_type<tc>, window_params = [{transform_indices = @transform_0, window_bounds = array<i64: 2048, 1024>}, {pipeline_mode = #tpu.pipeline_mode<synchronous>, transform_indices = @transform_1, window_bounds = array<i64: 8, 1024>}, {transform_indices = @transform_2, window_bounds = array<i64: 8, 2048>}, {transform_indices = @transform_3, window_bounds = array<i64: 8, 2048>}, {transform_indices = @transform_4, window_bounds = array<i64: 8, 2048>}]} {
    %get3A = arith.constant 0 : index
    %get3A_0 = arith.constant 0 : index
    %get3A_1 = vector.load %arg2[%get3A, %get3A_0] : memref<8x1024xf32, #tpu.memory_space<vmem>>, vector<8x1024xf32>
    %get3A_2 = arith.constant 0 : index
    %get3A_3 = arith.constant 0 : index
    %get3A_4 = vector.load %arg1[%get3A_2, %get3A_3] : memref<2048x1024xf32, #tpu.memory_space<vmem>>, vector<2048x1024xf32>
    %dot_general3A = arith.constant dense<0.000000e+00> : vector<8x2048xf32>
    %dot_general3A_5 = tpu.matmul %get3A_1, %get3A_4, %dot_general3A {dimension_numbers = #tpu.dot_dimension_numbers<[1], [1], [0], [0], [0, 0, 1, 0], [], []>, transpose_lhs_hint = false} : vector<8x1024xf32>, vector<2048x1024xf32>, vector<8x2048xf32> -> vector<8x2048xf32>
    %swap3A = arith.constant 0 : index
    %swap3A_6 = arith.constant 0 : index
    %swap3A_7 = vector.load %arg3[%swap3A, %swap3A_6] : memref<8x2048xf32, #tpu.memory_space<vmem>>, vector<8x2048xf32>
    tpu.vector_store %arg3[%swap3A, %swap3A_6], %dot_general3A_5 {strides = array<i32>} : memref<8x2048xf32, #tpu.memory_space<vmem>>, vector<8x2048xf32>,
    %reduce_max3A = arith.constant dense<0xFF800000> : vector<2048xf32>
    %reduce_max3A_8 = vector.multi_reduction <maximumf>, %dot_general3A_5, %reduce_max3A [0] : vector<8x2048xf32> to vector<2048xf32>
    %broadcast_in_dim3A = vector.shape_cast %reduce_max3A_8 : vector<2048xf32> to vector<1x2048xf32>
    %sub3A = vector.broadcast %broadcast_in_dim3A : vector<1x2048xf32> to vector<8x2048xf32>
    %sub3A_9 = arith.subf %dot_general3A_5, %sub3A : vector<8x2048xf32>
    %exp3A = math.exp %sub3A_9 : vector<8x2048xf32>
    %reduce_sum3A = arith.constant dense<0.000000e+00> : vector<2048xf32>
    %reduce_sum3A_10 = vector.multi_reduction <add>, %exp3A, %reduce_sum3A [0] : vector<8x2048xf32> to vector<2048xf32>
    %broadcast_in_dim3A_11 = vector.shape_cast %reduce_sum3A_10 : vector<2048xf32> to vector<1x2048xf32>
    %div3A = vector.broadcast %broadcast_in_dim3A_11 : vector<1x2048xf32> to vector<8x2048xf32>
    %div3A_12 = arith.divf %exp3A, %div3A : vector<8x2048xf32>
    %swap3A_13 = arith.constant 0 : index
    %swap3A_14 = arith.constant 0 : index
    %swap3A_15 = vector.load %arg4[%swap3A_13, %swap3A_14] : memref<8x2048xf32, #tpu.memory_space<vmem>>, vector<8x2048xf32>
    tpu.vector_store %arg4[%swap3A_13, %swap3A_14], %div3A_12 {strides = array<i32>} : memref<8x2048xf32, #tpu.memory_space<vmem>>, vector<8x2048xf32>,
    %iota3A = tpu.iota {dimensions = array<i32: 0>} : vector<8x2048xi32>
    %eq3A = vector.broadcast %broadcast_in_dim3A : vector<1x2048xf32> to vector<8x2048xf32>
    %eq3A_16 = arith.cmpf oeq, %dot_general3A_5, %eq3A : vector<8x2048xf32>
    %jit3A = arith.constant 8 : i32
    %broadcast_in_dim3A_17 = vector.broadcast %jit3A : i32 to vector<8x2048xi32>
    %select_n3A = arith.select %eq3A_16, %iota3A, %broadcast_in_dim3A_17 : vector<8x2048xi1>, vector<8x2048xi32>
    %reduce_min3A = arith.constant dense<2147483647> : vector<2048xi32>
    %reduce_min3A_18 = vector.multi_reduction <minsi>, %select_n3A, %reduce_min3A [0] : vector<8x2048xi32> to vector<2048xi32>
    %broadcast_in_dim3A_19 = vector.shape_cast %reduce_min3A_18 : vector<2048xi32> to vector<1x2048xi32>
    %eq3A_20 = vector.broadcast %broadcast_in_dim3A_19 : vector<1x2048xi32> to vector<8x2048xi32>
    %eq3A_21 = arith.cmpi eq, %iota3A, %eq3A_20 : vector<8x2048xi32>
    %jit3A_22 = arith.constant 0xFF800000 : f32
    %broadcast_in_dim3A_23 = vector.broadcast %jit3A_22 : f32 to vector<8x2048xf32>
    %select_n3A_24 = arith.select %eq3A_21, %broadcast_in_dim3A_23, %dot_general3A_5 : vector<8x2048xi1>, vector<8x2048xf32>
    %reduce_max3A_25 = arith.constant dense<0xFF800000> : vector<2048xf32>
    %reduce_max3A_26 = vector.multi_reduction <maximumf>, %select_n3A_24, %reduce_max3A_25 [0] : vector<8x2048xf32> to vector<2048xf32>
    %broadcast_in_dim3A_27 = vector.shape_cast %reduce_max3A_26 : vector<2048xf32> to vector<1x2048xf32>
    %eq3A_28 = vector.broadcast %broadcast_in_dim3A_27 : vector<1x2048xf32> to vector<8x2048xf32>
    %eq3A_29 = arith.cmpf oeq, %select_n3A_24, %eq3A_28 : vector<8x2048xf32>
    %jit3A_30 = arith.constant 8 : i32
    %broadcast_in_dim3A_31 = vector.broadcast %jit3A_30 : i32 to vector<8x2048xi32>
    %select_n3A_32 = arith.select %eq3A_29, %iota3A, %broadcast_in_dim3A_31 : vector<8x2048xi1>, vector<8x2048xi32>
    %reduce_min3A_33 = arith.constant dense<2147483647> : vector<2048xi32>
    %reduce_min3A_34 = vector.multi_reduction <minsi>, %select_n3A_32, %reduce_min3A_33 [0] : vector<8x2048xi32> to vector<2048xi32>
    %broadcast_in_dim3A_35 = vector.shape_cast %reduce_min3A_34 : vector<2048xi32> to vector<1x2048xi32>
    %eq3A_36 = vector.broadcast %broadcast_in_dim3A_35 : vector<1x2048xi32> to vector<8x2048xi32>
    %eq3A_37 = arith.cmpi eq, %iota3A, %eq3A_36 : vector<8x2048xi32>
    %or3A = arith.ori %eq3A_21, %eq3A_37 : vector<8x2048xi1>
    %convert_element_type3A = arith.extui %or3A : vector<8x2048xi1> to vector<8x2048xi32>
    %convert_element_type3A_38 = arith.sitofp %convert_element_type3A : vector<8x2048xi32> to vector<8x2048xf32>
    %swap3A_39 = arith.constant 0 : index
    %swap3A_40 = arith.constant 0 : index
    %swap3A_41 = vector.load %arg5[%swap3A_39, %swap3A_40] : memref<8x2048xf32, #tpu.memory_space<vmem>>, vector<8x2048xf32>
    tpu.vector_store %arg5[%swap3A_39, %swap3A_40], %convert_element_type3A_38 {strides = array<i32>} : memref<8x2048xf32, #tpu.memory_space<vmem>>, vector<8x2048xf32>,
    return
  }
  func.func @transform_0(%arg0: i32) -> (i32, i32) {
    %add3A = arith.constant 8 : i32
    %add3A_0 = arith.addi %arg0, %add3A : i32
    %c0_i32 = arith.constant 0 : i32
    %c0_i32_1 = arith.constant 0 : i32
    return %add3A_0, %c0_i32 : i32, i32
  }
  func.func @transform_1(%arg0: i32) -> (i32, i32) {
    %c0_i32 = arith.constant 0 : i32
    %c0_i32_0 = arith.constant 0 : i32
    %c0_i32_1 = arith.constant 0 : i32
    return %c0_i32, %c0_i32_0 : i32, i32
  }
  func.func @transform_2(%arg0: i32) -> (i32, i32) {
    %c0_i32 = arith.constant 0 : i32
    %c0_i32_0 = arith.constant 0 : i32
    return %c0_i32, %arg0 : i32, i32
  }
  func.func @transform_3(%arg0: i32) -> (i32, i32) {
    %c0_i32 = arith.constant 0 : i32
    %c0_i32_0 = arith.constant 0 : i32
    return %c0_i32, %arg0 : i32, i32
  }
  func.func @transform_4(%arg0: i32) -> (i32, i32) {
    %c0_i32 = arith.constant 0 : i32
    %c0_i32_0 = arith.constant 0 : i32
    return %c0_i32, %arg0 : i32, i32
  }
}

module attributes {stable_mosaic.version = 14 : i64} {
  func.func @_mm_body(%arg0: i32, %arg1: memref<2048x1024xf32, #tpu.memory_space<vmem>>, %arg2: memref<8x1024xf32, #tpu.memory_space<vmem>>, %arg3: memref<8x2048xf32, #tpu.memory_space<vmem>>) attributes {dimension_semantics = [#tpu.dimension_semantics<arbitrary>], iteration_bounds = array<i64: 8>, scalar_prefetch = 0 : i64, scratch_operands = 0 : i64, tpu.core_type = #tpu.core_type<tc>, window_params = [{transform_indices = @transform_0, window_bounds = array<i64: 2048, 1024>}, {pipeline_mode = #tpu.pipeline_mode<synchronous>, transform_indices = @transform_1, window_bounds = array<i64: 8, 1024>}, {transform_indices = @transform_2, window_bounds = array<i64: 8, 2048>}]} {
    %get3A = arith.constant 0 : index
    %get3A_0 = arith.constant 0 : index
    %get3A_1 = vector.load %arg2[%get3A, %get3A_0] : memref<8x1024xf32, #tpu.memory_space<vmem>>, vector<8x1024xf32>
    %get3A_2 = arith.constant 0 : index
    %get3A_3 = arith.constant 0 : index
    %get3A_4 = vector.load %arg1[%get3A_2, %get3A_3] : memref<2048x1024xf32, #tpu.memory_space<vmem>>, vector<2048x1024xf32>
    %dot_general3A = arith.constant dense<0.000000e+00> : vector<8x2048xf32>
    %dot_general3A_5 = tpu.matmul %get3A_1, %get3A_4, %dot_general3A {dimension_numbers = #tpu.dot_dimension_numbers<[1], [1], [0], [0], [0, 0, 1, 0], [], []>, transpose_lhs_hint = false} : vector<8x1024xf32>, vector<2048x1024xf32>, vector<8x2048xf32> -> vector<8x2048xf32>
    %swap3A = arith.constant 0 : index
    %swap3A_6 = arith.constant 0 : index
    %swap3A_7 = vector.load %arg3[%swap3A, %swap3A_6] : memref<8x2048xf32, #tpu.memory_space<vmem>>, vector<8x2048xf32>
    tpu.vector_store %arg3[%swap3A, %swap3A_6], %dot_general3A_5 {strides = array<i32>} : memref<8x2048xf32, #tpu.memory_space<vmem>>, vector<8x2048xf32>,
    return
  }
  func.func @transform_0(%arg0: i32) -> (i32, i32) {
    %c0_i32 = arith.constant 0 : i32
    %c0_i32_0 = arith.constant 0 : i32
    return %arg0, %c0_i32 : i32, i32
  }
  func.func @transform_1(%arg0: i32) -> (i32, i32) {
    %c0_i32 = arith.constant 0 : i32
    %c0_i32_0 = arith.constant 0 : i32
    %c0_i32_1 = arith.constant 0 : i32
    return %c0_i32, %c0_i32_0 : i32, i32
  }
  func.func @transform_2(%arg0: i32) -> (i32, i32) {
    %c0_i32 = arith.constant 0 : i32
    %c0_i32_0 = arith.constant 0 : i32
    return %c0_i32, %arg0 : i32, i32
  }
}

</mosaic_0001>

<sc_bundles>
// kernel: kernel.5.cloned.1.call-start
scs
__scs_entry_jumppad:
0x0: {  	(pc) =	sbr.rel $0x88, $3  }
0x1: {  	(tag) =	ssettag $0x0;
	lr =	simm.s32 $0x1  }
0x2: {  	[smem:$0x3F9F] =	sst lr;
	_ =	strace $0xD0000000  }
0x3: {  	_ = 	snop  }
0x4: {  	_ = 	snop  }
0x5: {  	_ = 	snop  }
0x6: {  	_ = 	snop  }
0x7: {  	_ = 	snop  }
__scs_overlays_trampoline_lowered:
0x8: {  	[smem:$0x3FAE] =	sst s0  }
0x9: {  	[smem:$0x3FAF] =	sst s1  }
0xa: {  	[smem:$0x3FB0] =	sst s2  }
0xb: {  	[smem:$0x3FB1] =	sst s3  }
0xc: {  	[smem:$0x3FB2] =	sst s4  }
0xd: {  	[smem:$0x3FB3] =	sst s5  }
0xe: {  	[smem:$0x3FB4] =	sst s6  }
0xf: {  	[smem:$0x3FB5] =	sst s7  }
0x10: {  	[smem:$0x3FB6] =	sst s8  }
0x11: {  	[smem:$0x3FB7] =	sst s9;
	s0 =	simm.s32 @!p0 $0x0  }
0x12: {  	s1 =	sld [smem:$0x3F9D];
	s0 =	simm.s32 @p0 $0x1  }
0x13: {  	[smem:$0x3FB8] =	sst s0;
	s0 =	simm.s32 @!p1 $0x0  }
0x14: {  	s2 =	sld [smem:$0x3F9C];
	s0 =	simm.s32 @p1 $0x1  }
0x15: {  	[smem:$0x3FB9] =	sst s0;
	s0 =	simm.s32 @!p2 $0x0  }
0x16: {  	s3 =	sld [smem:$0x3FDB];
	s0 =	simm.s32 @p2 $0x1  }
0x17: {  	s4 =	simm.s32 $0x1BF5;
	[smem:$0x3FBB] =	sst s0  }
0x18: {  	s0 =	sld [smem:$0x3F9E];
	_ =	swait.ge [sflag:s4], $0x0  }
0x19: {  	s7 =	sld [smem:$0x3F9F]  }
0x1a: {  	s8 =	sadd.s32 $0xFFFFE003, lr  }
0x1b: {  	s9 =	sadd.s32 $0xFFFFFEF7, lr;
	s5 =	simm.s32 $0xFFFFFFFF;
	p2 =	slt.u32 s8, $0xFFFFF086  }
0x1c: {  	p1 =	slt.u32 s9, $0xF7A;
	s5 =	simm.s32 @!p2 $0x0  }
0x1d: {  	s5 =	simm.s32 @p1 $0x1;
	p0 =	seq.s32 s7, s2  }
0x1e: {  	s7 =	smul.u32 @!p0 $0xF7A, s2;
	p2 =	seq.s32 @!p0 s5, $0x0  }
0x1f: {  	s9 =	smul.u32 $0xF7A, s1;
	s8 =	simm.s32 @!p0 $0x1BF5;
	p2 =	por !p2, p0  }
0x20: {  	[sflag:s8] =	ssyncset.s32 @!p0 $0xFFFFF086;
	s6 =	sadd.s32 @!p0 s3, s7;
	s7 =	simm.s32 @!p0 $0x108  }
0x21: {  	s3 =	sadd.s32 s3, s9;
	s6 =	sadd.s32 @!p0 $0x88, s6;
	s7 =	simm.s32 @p2 $0x1082  }
0x22: {  	[simem:s7], [sflag:s8] =	dma.local @!p0 [hbm:s6], $0xF7A  }
0x23: {  	s9 =	sor.u32 $0xD0000000, s2;
	s6 =	simm.s32 $0x108;
	_ =	swait.ge @!p0 [sflag:s8], $0x0  }
0x24: {  	s3 =	sadd.s32 $0x88, s3;
	s6 =	simm.s32 @!p1 $0x1082;
	[sflag:s4] =	ssyncset.s32 $0xFFFFF086  }
0x25: {  	[simem:s6], [sflag:s4] =	dma.local [hbm:s3], $0xF7A  }
0x26: {  	[smem:$0x3F9F] =	sst s1;
	(tag) =	ssettag s2;
	_ =	strace s9  }
0x27: {  	s1 =	sld [smem:$0x3FAF]  }
0x28: {  	s2 =	sld [smem:$0x3FB0]  }
0x29: {  	s4 =	sld [smem:$0x3FB2]  }
0x2a: {  	p0 =	seq.s32 s5, $0x0;
	s5 =	sld [smem:$0x3FB3]  }
0x2b: {  	s6 =	sld [smem:$0x3FB4]  }
0x2c: {  	s7 =	sld [smem:$0x3FB5]  }
0x2d: {  	s3 =	simm.s32 $0x108;
	s8 =	sld [smem:$0x3FB6]  }
0x2e: {  	s3 =	simm.s32 @!p0 $0x1082;
	s9 =	sld [smem:$0x3FB7]  }
0x2f: {  	lr =	sadd.s32 s0, s3;
	s0 =	sld [smem:$0x3FAE]  }
0x30: {  	s3 =	sld [smem:$0x3FB1]  }
0x31: {  	[smem:$0x3FBA] =	sst s10  }
0x32: {  	s10 =	sld [smem:$0x3FB8];
	_ =	sdelay $0x3  }
0x33: {  	p0 =	seq.s32 s10, $0x1;
	s10 =	sld [smem:$0x3FBA];
	_ =	sdelay $0x3  }
0x34: {  	[smem:$0x3FBA] =	sst s10  }
0x35: {  	s10 =	sld [smem:$0x3FB9];
	_ =	sdelay $0x3  }
0x36: {  	p1 =	seq.s32 s10, $0x1;
	s10 =	sld [smem:$0x3FBA];
	_ =	sdelay $0x3  }
0x37: {  	[smem:$0x3FBA] =	sst s10  }
0x38: {  	s10 =	sld [smem:$0x3FBB]  }
0x39: {  	_ = 	snop;
	(pc) =	sbr.ind lr, $3  }
0x3a: {  	_ = 	snop  }
0x3b: {  	_ = 	snop  }
0x3c: {  	p2 =	seq.s32 s10, $0x1;
	s10 =	sld [smem:$0x3FBA]  }
0x3d: {  	_ =	shalt  }
0x3e: {  	_ =	shalt  }
0x3f: {  	_ =	shalt  }
0x40: {  	_ =	shalt  }
0x41: {  	_ =	shalt  }
0x42: {  	_ =	shalt  }
0x43: {  	_ =	shalt  }
0x44: {  	_ =	shalt  }
0x45: {  	_ =	shalt  }
0x46: {  	_ =	shalt  }
0x47: {  	_ =	shalt  }
0x48: {  	_ =	shalt  }
0x49: {  	_ =	shalt  }
0x4a: {  	_ =	shalt  }
0x4b: {  	_ =	shalt  }
0x4c: {  	_ =	shalt  }
0x4d: {  	_ =	shalt  }
0x4e: {  	_ =	shalt  }
0x4f: {  	_ =	shalt  }
0x50: {  	_ =	shalt  }
0x51: {  	_ =	shalt  }
0x52: {  	_ =	shalt  }
0x53: {  	_ =	shalt  }
0x54: {  	_ =	shalt  }
0x55: {  	_ =	shalt  }
0x56: {  	_ =	shalt  }
0x57: {  	_ =	shalt  }
0x58: {  	_ =	shalt  }
0x59: {  	_ =	shalt  }
0x5a: {  	_ =	shalt  }
0x5b: {  	_ =	shalt  }
0x5c: {  	_ =	shalt  }
0x5d: {  	_ =	shalt  }
0x5e: {  	_ =	shalt  }
0x5f: {  	_ =	shalt  }
0x60: {  	_ =	shalt  }
0x61: {  	_ =	shalt  }
0x62: {  	_ =	shalt  }
0x63: {  	_ =	shalt  }
0x64: {  	_ =	shalt  }
0x65: {  	_ =	shalt  }
0x66: {  	_ =	shalt  }
0x67: {  	_ =	shalt  }
0x68: {  	_ =	shalt  }
0x69: {  	_ =	shalt  }
0x6a: {  	_ =	shalt  }
0x6b: {  	_ =	shalt  }
0x6c: {  	_ =	shalt  }
0x6d: {  	_ =	shalt  }
0x6e: {  	_ =	shalt  }
0x6f: {  	_ =	shalt  }
0x70: {  	_ =	shalt  }
0x71: {  	_ =	shalt  }
0x72: {  	_ =	shalt  }
0x73: {  	_ =	shalt  }
0x74: {  	_ =	shalt  }
0x75: {  	_ =	shalt  }
0x76: {  	_ =	shalt  }
0x77: {  	_ =	shalt  }
0x78: {  	_ =	shalt  }
0x79: {  	_ =	shalt  }
0x7a: {  	_ =	shalt  }
0x7b: {  	_ =	shalt  }
0x7c: {  	_ =	shalt  }
0x7d: {  	_ =	shalt  }
0x7e: {  	_ =	shalt  }
0x7f: {  	_ =	shalt  }
0x80: {  	_ =	shalt  }
0x81: {  	_ =	shalt  }
0x82: {  	_ =	shalt  }
0x83: {  	_ =	shalt  }
0x84: {  	_ =	shalt  }
0x85: {  	_ =	shalt  }
0x86: {  	_ =	shalt  }
0x87: {  	_ =	shalt  }
.Lfunc_end0:
.L_simem_size_0:
called_computation_lowered:
.L_overlay_start_0:
0x88: {  	s2 =	sld [smem:$0x3FD9]  }
0x89: {  	s3 =	sld [smem:$0x3FFE];
	_ =	sdelay $0x1  }
0x8a: {  	s1 =	srdreg.scid  }
0x8b: {  	s0 =	sand.u32 $0x1, s1  }
0x8c: {  	s15 =	sshll.u32 s0, $0xA;
	s2 =	sadd.s32 s3, s2  }
0x8d: {  	s2 =	sadd.s32 s2, s15  }
0x8e: {  	[smem:$0x3FC6] =	sst s2  }
0x8f: {  	_ = 	snop  }
0x90: {  	s2 =	sld [smem:$0x3FD0];
	_ =	sdelay $0x2  }
0x91: {  	s16 =	simm.s32 $0xA;
	s4 =	simm.s32 $0x10  }
0x92: {  	[smem:s4], [sflag:s16] =	dma.local [hbm:s2], $0x1  }
0x93: {  	_ =	swait.eq [sflag:s16], $0x1  }
0x94: {  	s17 =	sld [smem:$0x11];
	[sflag:s16] =	ssyncset.done $0x0  }
0x95: {  	s18 =	sld [smem:$0x12];
	[sflag:s16] =	ssyncadd.s32 $0xFFFFFFFF  }
0x96: {  	s19 =	sld [smem:$0x13];
	(tm) =	ssettm $0x1  }
0x97: {  	s5 =	sld [smem:$0x3FFB];
	_ =	sdelay $0x3  }
0x98: {  	_ =	strace s5  }
0x99: {  	s5 =	sld [smem:$0x3FFC];
	_ =	sdelay $0x3  }
0x9a: {  	_ =	strace s5  }
0x9b: {  	s5 =	sld [smem:$0x3FFD];
	_ =	sdelay $0x3  }
0x9c: {  	_ =	strace s5  }
0x9d: {  	_ =	strace $0x8FFFFFFF  }
0x9e: {  	s20 =	sld [smem:$0x3FDB];
	_ =	sdelay $0x1  }
0x9f: {  	s6 =	simm.s32 $_scs_section_size  }
0xa0: {  	s7 =	simm.s32 $_size__tile_overlayer_lowered;
	s8 =	simm.s32 $_tile_overlayer_lowered  }
0xa1: {  	s23 =	simm.s32 $0x1BFF;
	s22 =	sshll.u32 s8, $0x1;
	s5 =	sadd.s32 s6, s20  }
0xa2: {  	s9 =	simm.s32 $0x0;
	s21 =	sshll.u32 s7, $0x1;
	s7 =	sadd.s32 s22, s5  }
0xa3: {  	[timem:s9], [sflag:s23] =	dma.local [hbm:s7], s21  }
0xa4: {  	_ =	swait.ge [sflag:s23], s21  }
0xa5: {  	s6 =	ssub.s32 $0x0, s21;
	[sflag:s23] =	ssyncset.done $0x0  }
0xa6: {  	[sflag:s23] =	ssyncadd.s32 s6;
	_ =	sdelay $0x1  }
0xa7: {  	s24 =	simm.s32 $0x1B8B  }
0xa8: {  	_ =	swait.ge [sflag:s24], $0x1  }
0xa9: {  	[sflag:s24] =	ssyncset.done $0x0  }
0xaa: {  	s25 =	simm.s32 $0x1B8E;
	[sflag:s24] =	ssyncadd.s32 $0xFFFFFFFF  }
0xab: {  	s26 =	simm.s32 $execute0_lowered;
	[smem:$0x3FD2] =	sst s25  }
0xac: {  	s6 =	sshll.u32 s26, $0x1;
	_ =	strace $0x80000046;
	[dreg:$0x1] =	wrdreg $0xFFFFFFFF  }
0xad: {  	s28 =	simm.s32 $_size_execute0_lowered;
	s5 =	sadd.s32 s5, s6;
	[dreg:$0x0] =	wrdreg $0x0  }
0xae: {  	s6 =	sshll.u32 s28, $0x1;
	[dreg:$0x2] =	wrdreg s5  }
0xaf: {  	[dreg:$0x3] =	wrdreg s6  }
0xb0: {  	[dreg:$0x4] =	wrdreg $0xC0  }
0xb1: {  	_ =	task [dreg:s9], $0x5FFFF  }
0xb2: {  	[dreg:$0x1] =	wrdreg $0xFFFFFFFF  }
0xb3: {  	[dreg:$0x0] =	wrdreg $0x60  }
0xb4: {  	[dreg:$0x2] =	wrdreg s19  }
0xb5: {  	[dreg:$0x3] =	wrdreg s18  }
0xb6: {  	[dreg:$0x4] =	wrdreg s17  }
0xb7: {  	[dreg:$0x5] =	wrdreg $0x9  }
0xb8: {  	_ =	task.clear_ibuf [dreg:s9], $0x6FFFF;
	_ =	strace $0x90000046  }
0xb9: {  	s29 =	simm.s32 $0x9;
	_ =	strace $0x80000048  }
0xba: {  	_ =	swait.ge [sflag:s29], $0x1  }
0xbb: {  	[sflag:s29] =	ssyncadd.s32 $0xFFFFFFFF  }
0xbc: {  	_ =	strace $0x90000048  }
0xbd: {  	_ =	sfence  }
0xbe: {  	s30 =	sld [smem:$0x0];
	_ =	sdelay $0x2  }
0xbf: {  	s31 =	sshll.u32 s1, $0xD;
	s1 =	sshrl.u32 s1, $0x2  }
0xc0: {  	s3 =	sand.u32 $0x4000, s31;
	s1 =	sadd.s32 s1, s30  }
0xc1: {  	s0 =	sor.u32 s3, s0;
	s1 =	sshll.u32 s1, $0x11  }
0xc2: {  	s0 =	sor.u32 s1, s0  }
0xc3: {  	s0 =	sadd.s32 $0x8F2B, s0  }
0xc4: {  	[sflag:s0] =	ssyncadd.remote.s32 $0x1  }
0xc5: {  	_ =	sfence.sel $0xFFFF  }
0xc6: {  	[dreg:$0x0] =	wrdreg $0xFFFFFFFF;
	(pc) =	sbr.abs _section_cstart, $3  }
0xc7: {  	[dreg:$0x1] =	wrdreg $0xFFFFFFFF  }
0xc8: {  	_ =	task.clear_ibuf [dreg:s9], $0x2FFFF;
	_ =	strace $0x9FFFFFFF  }
0xc9: {  	(tm) =	ssettm $0x7FFFFFFF  }
tec
execute0_lowered:
.L_overlay_start_1:
0x0: {  	(tag) =	ssettag $0x1  }
0x1: {  	s3 =	rddreg [dreg:$0x0]  }
0x2: {  	s4 =	rddreg [dreg:$0x1]  }
0x3: {  	s5 =	rddreg [dreg:$0x2]  }
0x4: {  	s0 =	rddreg [dreg:$0x3];
	s2 =	simm.s32 $0x0;
	s6 =	srdreg.scid  }
0x5: {  	s1 =	stileid.u32;
	s10 =	simm.s32 $0x1000;
	s11 =	simm.s32 $0x2  }
0x6: {  	s12 =	simm.s32 $0x2000;
	s13 =	simm.s32 $0x0;
	s6 =	sand.u32 $0x1, s6  }
0x7: {  	[smem:$0x7FF] =	sst s2;
	s8 =	sshll.u32 s1, $0x7;
	s7 =	ssub.s32 $0x2, s6  }
0x8: {  	s6 =	sshll.u32 s6, $0x6;
	_ =	strace $0x80000047;
	s9 =	sshrl.u32 s7, $0x1  }
0x9: {  	s6 =	sor.u32 s6, s8;
	s8 =	simm.s32 $0x4000;
	s7 =	ssub.s32 s7, s9  }
0xa: {  	s3 =	sadd.s32 s3, s6;
	s4 =	sadd.s32 s4, s6;
	s5 =	sadd.s32 s5, s6  }
0xb: {  	v0 =	vimm.f32 $0.0e+00;
	s9 =	simm.s32 $0x1;
	s6 =	smax.u32 s7, $0x1;
	s7 =	simm.s32 $0x200  }
.LBB2_1:
0xc: {  	[tilespmem:s2], [sflag:$0x1] =	stream.strided.gather [hbm4b:s3+s7], $0x1000, s8, s7, $0x38;
	[tilespmem:$0x3000] =	vst v63  }
0xd: {  	_ =	swait.ge [sflag:s9], $0x1000  }
0xe: {  	[sflag:s9] =	ssyncset.done $0x0  }
0xf: {  	s14 =	simm.s32 $0xFFFFFE00;
	[sflag:s9] =	ssyncadd.s32 $0xFFFFF000  }
0x10: {  	v1 =	vld [tilespmem:s14+$0x200]  }
0x11: {  	v2 =	vld [tilespmem:s14+$0x400]  }
0x12: {  	v3 =	vld [tilespmem:s14+$0x600]  }
0x13: {  	v4 =	vld [tilespmem:s14+$0x800]  }
0x14: {  	v5 =	vld [tilespmem:s14+$0xA00]  }
0x15: {  	v6 =	vld [tilespmem:s14+$0xC00]  }
0x16: {  	v7 =	vld [tilespmem:s14+$0xE00];
	v8 =	vmax.f32 v1, v2  }
0x17: {  	v9 =	vld [tilespmem:s14+$0x1000];
	v8 =	vmax.f32 v8, v3  }
0x18: {  	v8 =	vmax.f32 v8, v4  }
0x19: {  	v8 =	vmax.f32 v8, v5  }
0x1a: {  	v8 =	vmax.f32 v8, v6  }
0x1b: {  	v8 =	vmax.f32 v8, v7  }
0x1c: {  	v8 =	vmax.f32 v8, v9  }
0x1d: {  	v10 =	vsub.f32 v1, v8;
	vm6 =	veq.f32 v1, v8;
	vm0 =	veq.f32 v2, v8  }
0x1e: {  	v11 =	vsub.f32 v2, v8;
	vm1 =	vne.f32 v1, v8;
	v12 =	vsub.f32 v3, v8  }
0x1f: {  	vm3 =	veq.f32 v3, v8;
	v56 =	vsub.f32 v4, v8;
	v57 =	vsub.f32 v5, v8  }
0x20: {  	v15 =	vsub.f32 v9, v8;
	vm2 =	vmor vm6, vm0;
	vm5 =	vmand vm0, vm1  }
0x21: {  	vm0 =	veq.f32 v4, v8;
	v13 =	vsel vm6, $0xFF800000, v1;
	v10 =	vmul.f32 $1.442695020e+00, v10  }
0x22: {  	vm4 =	vmneg vm2;
	v11 =	vmul.f32 $1.442695020e+00, v11;
	vm2 =	vmor vm3, vm2  }
0x23: {  	v1 =	vmul.f32 $1.442695020e+00, v57;
	v15 =	vmul.f32 $1.442695020e+00, v15;
	vm4 =	vmand vm3, vm4  }
0x24: {  	vm1 =	vmneg vm2;
	(erf) = vpow2.f32 v10;
	v10 =	vmul.f32 $1.442695020e+00, v12  }
0x25: {  	vm2 =	vmor vm0, vm2;
	(erf) = vpow2.f32 v11;
	v11 =	vmul.f32 $1.442695020e+00, v56  }
0x26: {  	vm3 =	veq.f32 v5, v8;
	(erf) = vpow2.f32 v10;
	v10 =	vimm.s32 $0x0  }
0x27: {  	v58 =	vsel vm4, $0xFF800000, v3;
	v10 =	vsel vm6, $0xFFFFFFFF, v10;
	(erf) = vpow2.f32 v11  }
0x28: {  	vm6 =	vmand vm0, vm1;
	vm0 =	vmneg vm2;
	vm1 =	vmor vm3, vm2  }
0x29: {  	v11 =	vsub.f32 v7, v8;
	vm2 =	veq.f32 v6, v8;
	[tilespmem:$0x1FFC0] =	vst v10;
	v10 =	vsel vm5, $0xFF800000, v2  }
0x2a: {  	v2 =	vsub.f32 v6, v8;
	(erf) = vpow2.f32 v1;
	v1 =	vimm.s32 $0x0  }
0x2b: {  	v1 =	vsel vm4, $0xFFFFFFFF, v1;
	vm4 =	vmmov vm6;
	v14 =	vmax.f32 v13, v10  }
0x2c: {  	v11 =	vmul.f32 $1.442695020e+00, v11;
	vm6 =	vmand vm3, vm0;
	vm0 =	vmneg vm1  }
0x2d: {  	vm1 =	vmor vm2, vm1;
	vm3 =	veq.f32 v7, v8;
	v2 =	vmul.f32 $1.442695020e+00, v2  }
0x2e: {  	vm2 =	vmand vm2, vm0;
	vm0 =	vmneg vm1;
	vm1 =	vmor vm3, vm1  }
0x2f: {  	v61 =	vsel vm6, $0xFF800000, v5;
	v5 =	vimm.s32 $0x0;
	v3 =	vpop (erf);
	(erf) = vpow2.f32 v2  }
0x30: {  	[tilespmem:$0x1FFD0] =	vst v1;
	v1 =	vpop (erf);
	(erf) = vpow2.f32 v11;
	v11 =	vsel vm4, $0xFF800000, v4;
	v4 =	vmax.f32 v14, v58  }
0x31: {  	vm7 =	vmand vm3, vm0;
	vm0 =	vmneg vm1;
	v4 =	vmax.f32 v4, v11  }
0x32: {  	v5 =	vsel vm2, $0xFFFFFFFF, v5;
	v16 =	vadd.f32 v1, v3;
	v4 =	vmax.f32 v4, v61  }
0x33: {  	v62 =	vsel vm2, $0xFF800000, v6;
	vm1 =	veq.f32 v9, v8;
	v8 =	vsel vm7, $0xFF800000, v7;
	v2 =	vpop (erf)  }
0x34: {  	[tilespmem:$0x1FFF0] =	vst v5;
	vm9 =	vmand vm1, vm0;
	v59 =	vadd.f32 v16, v2;
	v5 =	vmax.f32 v4, v62  }
0x35: {  	v9 =	vsel vm9, $0xFF800000, v9;
	v5 =	vmax.f32 v5, v8;
	v4 =	vpop (erf)  }
0x36: {  	(erf) = vpow2.f32 v15;
	v63 =	vmax.f32 v5, v9;
	v6 =	vadd.f32 v59, v4  }
0x37: {  	v60 =	vimm.s32 $0x0;
	vm8 =	veq.f32 v13, v63;
	vm10 =	veq.f32 v10, v63  }
0x38: {  	v15 =	vsel vm6, $0xFFFFFFFF, v60;
	vm6 =	veq.f32 v58, v63;
	v5 =	vpop (erf);
	vm2 =	vmor vm8, vm10  }
0x39: {  	vm11 =	veq.f32 v11, v63;
	v7 =	vadd.f32 v6, v5;
	vm0 =	vmor vm6, vm2  }
0x3a: {  	vm12 =	veq.f32 v61, v63;
	vm3 =	vmor vm11, vm0;
	v6 =	vpop (erf)  }
0x3b: {  	vm1 =	vmor vm12, vm3;
	v10 =	vadd.f32 v7, v6  }
0x3c: {  	vm13 =	veq.f32 v62, v63;
	vm14 =	vmneg vm1  }
0x3d: {  	vm1 =	vmor vm13, vm1;
	v7 =	vpop (erf);
	vm13 =	vmand vm13, vm14  }
0x3e: {  	vm14 =	veq.f32 v8, v63;
	vm15 =	vmneg vm1;
	v11 =	vadd.f32 v10, v7  }
0x3f: {  	vm1 =	vmor vm14, vm1;
	vm15 =	vmand vm14, vm15;
	v10 =	vpop (erf)  }
0x40: {  	s15 =	simm.s32 $0xFFFFFE10;
	vm14 =	veq.f32 v9, v63;
	vm1 =	vmneg vm1;
	v8 =	vadd.f32 v11, v10  }
0x41: {  	vm0 =	vmneg vm0;
	v9 =	vld [tilespmem:s15+$0x400];
	vm1 =	vmand vm14, vm1;
	vm14 =	vmneg vm3  }
0x42: {  	s16 =	simm.s32 $0xFFFFF880;
	[tilespmem:$0x1FFE0] =	vst v15;
	vm3 =	vmneg vm2;
	vm2 =	vne.f32 v13, v63;
	(erf) = vrcp.f32 v8;
	v8 =	vld [tilespmem:s15+$0x200]  }
.LBB2_2:
0x43: {  	v11 =	vld [tilespmem:$0x1FFE0];
	_ =	sdelay $0x4  }
0x44: {  	vm9 =	vmor vm9, vm1;
	vm1 =	vnez.u8 v11;
	v11 =	vld [tilespmem:$0x1FFF0];
	_ =	sdelay $0x4  }
0x45: {  	vm10 =	vmand vm10, vm2;
	vm2 =	vnez.u8 v11;
	v11 =	vld [tilespmem:$0x1FFC0];
	_ =	sdelay $0x1  }
0x46: {  	v15 =	vld [tilespmem:s15+$0x600]  }
0x47: {  	v16 =	vld [tilespmem:s15+$0x800]  }
0x48: {  	vm0 =	vmand vm11, vm0;
	v14 =	vld [tilespmem:s15+$0xA00]  }
0x49: {  	vm3 =	vmand vm6, vm3;
	vm0 =	vmor vm4, vm0;
	vm4 =	vnez.u8 v11;
	v11 =	vld [tilespmem:$0x1FFD0]  }
0x4a: {  	vm6 =	vmand vm12, vm14;
	vm7 =	vmor vm7, vm15;
	v17 =	vmax.f32 v8, v9  }
0x4b: {  	v54 =	vimm.s32 $0x0;
	v18 =	vsel vm7, $0x3F800000, v0;
	v17 =	vmax.f32 v17, v15;
	v20 =	vpop (erf)  }
0x4c: {  	v13 =	vld [tilespmem:s15+$0xC00];
	vm1 =	vmor vm1, vm6;
	v17 =	vmax.f32 v17, v16;
	v3 =	vmul.f32 v20, v3  }
0x4d: {  	v12 =	vld [tilespmem:s15+$0xE00];
	v17 =	vmax.f32 v17, v14;
	v10 =	vmul.f32 v20, v10;
	v1 =	vmul.f32 v20, v1  }
0x4e: {  	v2 =	vmul.f32 v20, v2;
	vm6 =	vmor vm4, vm8;
	vm4 =	vnez.u8 v11;
	v11 =	vld [tilespmem:s15+$0x1000]  }
0x4f: {  	v4 =	vmul.f32 v20, v4;
	v5 =	vmul.f32 v20, v5;
	vm2 =	vmor vm2, vm13;
	[tilespmem:s14+$0x2000] =	vst v10  }
0x50: {  	v6 =	vmul.f32 v20, v6;
	v7 =	vmul.f32 v20, v7;
	v51 =	vsel vm2, $0x3F800000, v0;
	[tilespmem:s14+$0x1200] =	vst v3  }
0x51: {  	vm8 =	vmor vm5, vm10;
	v10 =	vmax.f32 v17, v13;
	[tilespmem:s14+$0x1400] =	vst v1;
	vm3 =	vmor vm4, vm3  }
0x52: {  	[tilespmem:s14+$0x1C00] =	vst v6;
	v6 =	vimm.s32 $0x0;
	v3 =	vmax.f32 v10, v12;
	v1 =	vsel vm3, $0x3F800000, v0  }
0x53: {  	v10 =	vsel vm1, $0x3F800000, v0;
	[tilespmem:s14+$0x2600] =	vst v1;
	v1 =	vimm.s32 $0x0;
	v52 =	vmax.f32 v3, v11  }
0x54: {  	[tilespmem:s14+$0x1600] =	vst v2;
	v3 =	vsel vm0, $0x3F800000, v0;
	v2 =	vsub.f32 v8, v52;
	vm5 =	veq.f32 v8, v52  }
0x55: {  	[tilespmem:s14+$0x1800] =	vst v4;
	vm0 =	veq.f32 v9, v52;
	v4 =	vsub.f32 v9, v52;
	vm1 =	vne.f32 v8, v52  }
0x56: {  	[tilespmem:s14+$0x1A00] =	vst v5;
	vm3 =	veq.f32 v15, v52;
	v5 =	vsub.f32 v15, v52;
	v2 =	vmul.f32 $1.442695020e+00, v2  }
0x57: {  	[tilespmem:s14+$0x1E00] =	vst v7;
	v7 =	vsub.f32 v12, v52;
	vm2 =	vmor vm5, vm0;
	v4 =	vmul.f32 $1.442695020e+00, v4  }
0x58: {  	vm7 =	vmand vm0, vm1;
	vm0 =	veq.f32 v16, v52;
	(erf) = vpow2.f32 v2  }
0x59: {  	v2 =	vmul.f32 $1.442695020e+00, v5;
	v5 =	vsub.f32 v16, v52;
	(erf) = vpow2.f32 v4  }
0x5a: {  	v1 =	vsel vm5, $0xFFFFFFFF, v1;
	v53 =	vsel vm5, $0xFF800000, v8;
	vm4 =	vmneg vm2  }
0x5b: {  	[tilespmem:s14+$0x2800] =	vst v3;
	vm2 =	vmor vm3, vm2;
	v3 =	vmul.f32 $1.442695020e+00, v5;
	(erf) = vpow2.f32 v2  }
0x5c: {  	v8 =	vsel vm7, $0xFF800000, v9;
	vm1 =	vmneg vm2;
	v4 =	vsub.f32 v14, v52  }
0x5d: {  	vm5 =	vmand vm0, vm1;
	(erf) = vpow2.f32 v3;
	v3 =	vimm.s32 $0x0  }
0x5e: {  	[tilespmem:$0x1FFC0] =	vst v1;
	v2 =	vsub.f32 v13, v52;
	v1 =	vmul.f32 $1.442695020e+00, v4;
	v3 =	vsel vm5, $0xFFFFFFFF, v3  }
0x5f: {  	vm4 =	vmand vm3, vm4;
	vm2 =	vmor vm0, vm2;
	vm3 =	veq.f32 v14, v52  }
0x60: {  	[tilespmem:s14+$0x2A00] =	vst v10;
	vm0 =	vmneg vm2;
	vm1 =	vmor vm3, vm2;
	v2 =	vmul.f32 $1.442695020e+00, v2  }
0x61: {  	vm2 =	veq.f32 v13, v52;
	v10 =	vsel vm4, $0xFFFFFFFF, v54;
	v9 =	vsel vm4, $0xFF800000, v15;
	[tilespmem:$0x1FF90] =	vst v3;
	v3 =	vpop (erf)  }
0x62: {  	vm4 =	vmand vm3, vm0;
	vm0 =	vmneg vm1;
	(erf) = vpow2.f32 v1;
	v1 =	vpop (erf)  }
0x63: {  	v5 =	vmul.f32 $1.442695020e+00, v7;
	v4 =	vmax.f32 v53, v8;
	v7 =	vadd.f32 v1, v3  }
0x64: {  	vm1 =	vmor vm2, vm1;
	vm3 =	veq.f32 v12, v52;
	(erf) = vpow2.f32 v2;
	v2 =	vpop (erf)  }
0x65: {  	vm2 =	vmand vm2, vm0;
	vm0 =	vmneg vm1;
	v7 =	vadd.f32 v7, v2  }
0x66: {  	vm1 =	vmor vm3, vm1;
	(erf) = vpow2.f32 v5;
	v5 =	vmax.f32 v4, v9;
	v4 =	vpop (erf)  }
0x67: {  	vm3 =	vmand vm3, vm0;
	v56 =	vadd.f32 v7, v4;
	v7 =	vimm.s32 $0x0  }
0x68: {  	v19 =	vsel vm9, $0x3F800000, v0;
	v6 =	vsel vm7, $0xFFFFFFFF, v6;
	[tilespmem:$0x1FFD0] =	vst v10;
	v7 =	vsel vm3, $0xFFFFFFFF, v7  }
0x69: {  	v10 =	vsel vm5, $0xFF800000, v16;
	v14 =	vsel vm4, $0xFF800000, v14;
	[tilespmem:$0x1FFA0] =	vst v7;
	v7 =	vimm.s32 $0x0  }
0x6a: {  	vm0 =	vmneg vm1;
	v57 =	vmax.f32 v5, v10;
	v7 =	vsel vm2, $0xFFFFFFFF, v7  }
0x6b: {  	v13 =	vsel vm2, $0xFF800000, v13;
	vm1 =	veq.f32 v11, v52;
	[tilespmem:$0x1FFF0] =	vst v7;
	v7 =	vmax.f32 v57, v14  }
0x6c: {  	v12 =	vsel vm3, $0xFF800000, v12;
	vm9 =	vmand vm1, vm0;
	v59 =	vmax.f32 v7, v13  }
0x6d: {  	[tilespmem:$0x1FFB0] =	vst v6;
	v6 =	vsub.f32 v11, v52;
	v11 =	vsel vm9, $0xFF800000, v11;
	v61 =	vmax.f32 v59, v12  }
0x6e: {  	v60 =	vsel vm8, $0x3F800000, v0;
	v62 =	vmax.f32 v61, v11  }
0x6f: {  	v63 =	vsel vm6, $0x3F800000, v0;
	vm8 =	veq.f32 v53, v62;
	vm10 =	veq.f32 v8, v62  }
0x70: {  	vm6 =	veq.f32 v9, v62;
	vm7 =	veq.f32 v11, v62;
	v11 =	vld [tilespmem:$0x1FF90];
	vm1 =	vmor vm8, vm10  }
0x71: {  	v6 =	vmul.f32 $1.442695020e+00, v6;
	vm11 =	veq.f32 v10, v62;
	vm0 =	vmor vm6, vm1  }
0x72: {  	v55 =	vimm.s32 $0x0;
	vm12 =	veq.f32 v14, v62;
	vm2 =	vmor vm11, vm0  }
0x73: {  	(erf) = vpow2.f32 v6;
	vm14 =	vmneg vm2;
	vm2 =	vmor vm12, vm2  }
0x74: {  	v6 =	vsel vm4, $0xFFFFFFFF, v55;
	vm13 =	veq.f32 v13, v62;
	vm4 =	vmneg vm2  }
0x75: {  	v5 =	vpop (erf);
	vm2 =	vmor vm13, vm2;
	vm13 =	vmand vm13, vm4;
	vm4 =	vnez.u8 v11;
	v11 =	vld [tilespmem:$0x1FFA0]  }
0x76: {  	v58 =	vadd.f32 v56, v5  }
0x77: {  	[tilespmem:$0x1FFE0] =	vst v6;
	v6 =	vpop (erf);
	vm15 =	veq.f32 v12, v62  }
0x78: {  	v15 =	vadd.f32 v58, v6;
	vm5 =	vmor vm15, vm2  }
0x79: {  	[tilespmem:s14+$0x3000] =	vst v19;
	vm3 =	vmneg vm1;
	vm1 =	vmneg vm2;
	vm5 =	vmneg vm5  }
0x7a: {  	p0 =	sne.s32 s16, $0xFFFFFFC0;
	[tilespmem:s14+$0x2E00] =	vst v18;
	v7 =	vpop (erf);
	vm15 =	vmand vm15, vm1;
	vm1 =	vmand vm7, vm5;
	vm7 =	vnez.u8 v11;
	v11 =	vld [tilespmem:$0x1FFB0]  }
.Ltmp0:
0x7b: {  	[tilespmem:s14+$0x2C00] =	vst v51;
	v15 =	vadd.f32 v15, v7;
	(pc) =	sbr.rel @p0 .LBB2_2-.Ltmp0, $4  }
0x7c: {  	[tilespmem:s14+$0x2400] =	vst v60;
	v10 =	vpop (erf)  }
0x7d: {  	[tilespmem:s14+$0x2200] =	vst v63;
	s14 =	smov.u32 s15;
	s15 =	sshra.s32 s16, $0x2;
	v8 =	vadd.f32 v15, v10  }
0x7e: {  	v9 =	vld [tilespmem:s15+$0x400];
	vm0 =	vmneg vm0  }
0x7f: {  	s16 =	sadd.s32 $0x40, s16;
	(erf) = vrcp.f32 v8;
	v8 =	vld [tilespmem:s15+$0x200];
	vm2 =	vne.f32 v53, v62;
	vm5 =	vnez.u8 v11  }
0x80: {  	vm3 =	vmand vm6, vm3;
	v18 =	vimm.s32 $0x0  }
0x81: {  	v11 =	vld [tilespmem:s15+$0x600];
	vm0 =	vmand vm11, vm0;
	vm6 =	vmand vm12, vm14;
	vm2 =	vmand vm10, vm2  }
0x82: {  	v12 =	vld [tilespmem:s15+$0x800];
	v24 =	vimm.s32 $0x0;
	vm10 =	vmor vm7, vm15;
	vm1 =	vmor vm9, vm1  }
0x83: {  	v20 =	vimm.s32 $0x0;
	v26 =	vld [tilespmem:$0x1FFE0];
	v27 =	vimm.s32 $0x0;
	v29 =	vimm.s32 $0x0  }
0x84: {  	v28 =	vld [tilespmem:$0x1FFF0];
	v31 =	vimm.s32 $0x0;
	v36 =	vimm.s32 $0x0;
	v39 =	vimm.s32 $0x0  }
0x85: {  	v13 =	vld [tilespmem:s15+$0xA00];
	v23 =	vimm.s32 $0x0;
	v44 =	vimm.s32 $0x0;
	v48 =	vimm.s32 $0x0  }
0x86: {  	v21 =	vld [tilespmem:$0x1FFC0];
	v59 =	vimm.s32 $0x0;
	v18 =	vsel vm3, $0xFFFFFFFF, v18;
	vm0 =	vmor vm4, vm0  }
0x87: {  	v14 =	vld [tilespmem:s15+$0xC00];
	v32 =	vsel vm10, $0x3F800000, v0;
	v35 =	vsel vm1, $0x3F800000, v0;
	v16 =	vmax.f32 v8, v9  }
0x88: {  	v15 =	vld [tilespmem:s15+$0xE00];
	[tilespmem:$0x1FEF0] =	vst v18;
	v18 =	vsel vm2, $0xFFFFFFFF, v24;
	v20 =	vsel vm0, $0xFFFFFFFF, v20;
	v16 =	vmax.f32 v16, v11  }
0x89: {  	v17 =	vld [tilespmem:s15+$0x1000];
	vm11 =	vnez.u8 v26;
	vm12 =	vnez.u8 v28;
	v16 =	vmax.f32 v16, v12  }
0x8a: {  	v26 =	vimm.s32 $0x0;
	vm0 =	vmor vm11, vm6;
	v16 =	vmax.f32 v16, v13  }
0x8b: {  	[tilespmem:$0x1FF00] =	vst v20;
	v20 =	vsel vm0, $0xFFFFFFFF, v27;
	vm0 =	vmor vm12, vm13;
	vm13 =	vnez.u8 v21  }
0x8c: {  	v16 =	vmax.f32 v16, v14;
	[tilespmem:$0x1FEE0] =	vst v20;
	v20 =	vsel vm0, $0xFFFFFFFF, v29;
	vm0 =	vmor vm13, vm8;
	v42 =	vpop (erf)  }
0x8d: {  	v16 =	vmax.f32 v16, v15;
	v21 =	vsel vm0, $0xFFFFFFFF, v31;
	v3 =	vmul.f32 v42, v3  }
0x8e: {  	v10 =	vmul.f32 v42, v10;
	v1 =	vmul.f32 v42, v1;
	v16 =	vmax.f32 v16, v17  }
0x8f: {  	v2 =	vmul.f32 v42, v2;
	v25 =	vsub.f32 v8, v16;
	v19 =	vsub.f32 v9, v16  }
0x90: {  	v60 =	vmul.f32 v42, v7;
	v30 =	vsub.f32 v11, v16;
	v34 =	vsub.f32 v12, v16  }
0x91: {  	vm6 =	veq.f32 v8, v16;
	vm14 =	veq.f32 v9, v16;
	v22 =	vsub.f32 v13, v16  }
0x92: {  	vm15 =	vne.f32 v8, v16;
	vm9 =	veq.f32 v11, v16;
	v38 =	vsub.f32 v14, v16  }
0x93: {  	[tilespmem:$0x1FEC0] =	vst v18;
	v41 =	vsub.f32 v15, v16;
	vm11 =	veq.f32 v12, v16;
	v43 =	vsub.f32 v17, v16  }
0x94: {  	vm13 =	veq.f32 v13, v16;
	[tilespmem:s14+$0x1400] =	vst v1;
	v1 =	vmul.f32 v42, v4;
	v18 =	vmul.f32 $1.442695020e+00, v25  }
0x95: {  	[tilespmem:s14+$0x1600] =	vst v2;
	v2 =	vmul.f32 v42, v5;
	vm8 =	vmor vm6, vm14;
	v19 =	vmul.f32 $1.442695020e+00, v19  }
0x96: {  	vm7 =	vmand vm14, vm15;
	v33 =	vmul.f32 $1.442695020e+00, v30;
	(erf) = vpow2.f32 v18  }
0x97: {  	[tilespmem:$0x1FED0] =	vst v20;
	v51 =	vsel vm6, $0xFF800000, v8;
	v20 =	vmul.f32 $1.442695020e+00, v34;
	(erf) = vpow2.f32 v19  }
0x98: {  	v37 =	vmul.f32 $1.442695020e+00, v22;
	vm10 =	vmneg vm8;
	v40 =	vmul.f32 $1.442695020e+00, v38  }
0x99: {  	vm2 =	vmor vm9, vm8;
	[tilespmem:s14+$0x1800] =	vst v1;
	v1 =	vmul.f32 v42, v6;
	(erf) = vpow2.f32 v33  }
0x9a: {  	v22 =	vmul.f32 $1.442695020e+00, v41;
	v52 =	vsel vm7, $0xFF800000, v9;
	[tilespmem:s14+$0x1A00] =	vst v2;
	v2 =	vld [tilespmem:$0x1FEC0];
	vm4 =	vmand vm9, vm10  }
0x9b: {  	vm12 =	vmneg vm2;
	vm2 =	vmor vm11, vm2;
	[tilespmem:s14+$0x1C00] =	vst v1;
	v1 =	vld [tilespmem:$0x1FED0];
	(erf) = vpow2.f32 v20  }
0x9c: {  	v27 =	vmax.f32 v51, v52;
	v18 =	vsel vm6, $0xFFFFFFFF, v36;
	v23 =	vsel vm4, $0xFFFFFFFF, v23  }
0x9d: {  	vm8 =	vmand vm11, vm12;
	vm14 =	vmneg vm2;
	(erf) = vpow2.f32 v37  }
0x9e: {  	vm15 =	vmor vm13, vm2;
	vm12 =	veq.f32 v14, v16;
	vm11 =	veq.f32 v17, v16  }
0x9f: {  	v11 =	vsel vm4, $0xFF800000, v11;
	vm4 =	vnez.u8 v2;
	(erf) = vpow2.f32 v40;
	v24 =	vpop (erf)  }
0xa0: {  	[tilespmem:$0x1FF50] =	vst v23;
	v23 =	vmul.f32 $1.442695020e+00, v43;
	vm6 =	vmor vm5, vm4;
	vm5 =	vnez.u8 v1;
	v45 =	vpop (erf)  }
0xa1: {  	v1 =	vsel vm5, $0x3F800000, v0;
	(erf) = vpow2.f32 v22;
	v25 =	vadd.f32 v45, v24  }
0xa2: {  	vm9 =	vmand vm13, vm14;
	vm13 =	vmneg vm15;
	vm1 =	vmor vm12, vm15;
	[tilespmem:s14+$0x2C00] =	vst v1;
	v1 =	vld [tilespmem:$0x1FFD0];
	v46 =	vpop (erf)  }
0xa3: {  	vm14 =	veq.f32 v15, v16;
	(erf) = vpow2.f32 v23;
	v25 =	vadd.f32 v25, v46  }
0xa4: {  	v12 =	vsel vm8, $0xFF800000, v12;
	v27 =	vmax.f32 v27, v11;
	v26 =	vsel vm9, $0xFFFFFFFF, v26;
	v47 =	vpop (erf)  }
0xa5: {  	vm10 =	vmand vm12, vm13;
	vm15 =	vmor vm14, vm1;
	v25 =	vadd.f32 v25, v47  }
0xa6: {  	vm1 =	vmneg vm1;
	v13 =	vsel vm9, $0xFF800000, v13;
	v54 =	vmax.f32 v27, v12;
	v2 =	vld [tilespmem:$0x1FEE0];
	v49 =	vpop (erf)  }
0xa7: {  	v20 =	vsel vm7, $0xFFFFFFFF, v39;
	vm2 =	vnez.u8 v1;
	v1 =	vld [tilespmem:$0x1FEF0];
	v50 =	vadd.f32 v25, v49  }
0xa8: {  	[tilespmem:$0x1FF30] =	vst v26;
	v26 =	vsel vm10, $0xFFFFFFFF, v48;
	vm0 =	vmneg vm15;
	vm14 =	vmand vm14, vm1;
	v53 =	vpop (erf)  }
0xa9: {  	v14 =	vsel vm10, $0xFF800000, v14;
	v19 =	vmax.f32 v54, v13;
	v16 =	vadd.f32 v50, v53  }
0xaa: {  	vm13 =	vmand vm11, vm0;
	v56 =	vsel vm14, $0xFF800000, v15;
	v57 =	vmax.f32 v19, v14;
	v28 =	vpop (erf)  }
0xab: {  	[tilespmem:s14+$0x1200] =	vst v3;
	v3 =	vsel vm13, $0xFF800000, v17;
	v15 =	vmax.f32 v57, v56;
	v16 =	vadd.f32 v16, v28  }
0xac: {  	v58 =	vmax.f32 v15, v3;
	vm0 =	vnez.u8 v2;
	vm3 =	vnez.u8 v1;
	v55 =	vpop (erf)  }
0xad: {  	[tilespmem:$0x1FF10] =	vst v21;
	v2 =	vsel vm0, $0x3F800000, v0;
	v1 =	vld [tilespmem:$0x1FF00];
	vm3 =	vmor vm2, vm3;
	v16 =	vadd.f32 v16, v55  }
0xae: {  	vm15 =	veq.f32 v52, v58;
	vm12 =	veq.f32 v51, v58;
	[tilespmem:s14+$0x2A00] =	vst v2;
	v2 =	vsel vm3, $0x3F800000, v0  }
0xaf: {  	vm10 =	veq.f32 v11, v58;
	vm9 =	vmor vm12, vm15;
	[tilespmem:s14+$0x2600] =	vst v2;
	v2 =	vld [tilespmem:$0x1FF10];
	(erf) = vrcp.f32 v16  }
0xb0: {  	[tilespmem:s14+$0x3000] =	vst v35;
	v5 =	vsel vm12, $0xFFFFFFFF, v59;
	vm12 =	veq.f32 v12, v58;
	vm11 =	vmor vm10, vm9  }
0xb1: {  	[tilespmem:$0x1FF60] =	vst v20;
	v20 =	vsel vm8, $0xFFFFFFFF, v44;
	vm8 =	veq.f32 v13, v58;
	vm7 =	vmor vm12, vm11  }
0xb2: {  	[tilespmem:s14+$0x2E00] =	vst v32;
	vm5 =	veq.f32 v14, v58;
	vm4 =	vmor vm8, vm7;
	vm2 =	vnez.u8 v1  }
0xb3: {  	[tilespmem:s14+$0x2000] =	vst v10;
	vm1 =	veq.f32 v56, v58;
	vm0 =	vmor vm5, vm4;
	v1 =	vsel vm2, $0x3F800000, v0  }
0xb4: {  	vm2 =	vmor vm1, vm0;
	[tilespmem:s14+$0x2800] =	vst v1;
	v1 =	vsel vm6, $0x3F800000, v0;
	vm6 =	vnez.u8 v2  }
0xb5: {  	[tilespmem:s14+$0x1E00] =	vst v60;
	vm3 =	veq.f32 v3, v58;
	vm2 =	vmneg vm2;
	v2 =	vsel vm6, $0x3F800000, v0  }
0xb6: {  	[tilespmem:$0x1FF20] =	vst v26;
	vm0 =	vmneg vm0;
	vm2 =	vmand vm3, vm2  }
0xb7: {  	vm0 =	vmand vm1, vm0;
	[tilespmem:s14+$0x2400] =	vst v1;
	vm13 =	vmor vm13, vm2  }
0xb8: {  	vm0 =	vmor vm14, vm0;
	v1 =	vsel vm13, $0x3F800000, v0;
	[tilespmem:s14+$0x2200] =	vst v2;
	v2 =	vpop (erf)  }
0xb9: {  	v3 =	vsel vm0, $0x3F800000, v0;
	[tilespmem:s15+$0x3000] =	vst v1;
	v1 =	vmul.f32 v2, v24  }
0xba: {  	[tilespmem:s15+$0x2E00] =	vst v3;
	v3 =	vmul.f32 v2, v45  }
0xbb: {  	v61 =	vmul.f32 v2, v55;
	[tilespmem:s15+$0x1200] =	vst v1;
	v1 =	vmul.f32 v2, v47  }
0xbc: {  	v62 =	vmul.f32 v2, v46;
	v63 =	vmul.f32 v2, v53;
	[tilespmem:s15+$0x1400] =	vst v3  }
0xbd: {  	v3 =	vmul.f32 v2, v49;
	[tilespmem:s15+$0x1800] =	vst v1;
	v1 =	vmul.f32 v2, v28;
	v2 =	vld [tilespmem:$0x1FF20];
	_ =	sdelay $0x4  }
0xbe: {  	vm6 =	vmneg vm7;
	vm7 =	vnez.u8 v2;
	v2 =	vld [tilespmem:$0x1FF30];
	_ =	sdelay $0x1  }
0xbf: {  	vm4 =	vmneg vm4  }
0xc0: {  	[tilespmem:$0x1FF40] =	vst v20;
	vm0 =	vmand vm5, vm4  }
0xc1: {  	[tilespmem:s15+$0x1E00] =	vst v1;
	v1 =	vld [tilespmem:$0x1FF40];
	vm0 =	vmor vm7, vm0  }
0xc2: {  	vm5 =	vmneg vm9;
	vm9 =	vnez.u8 v2;
	v2 =	vsel vm0, $0x3F800000, v0  }
0xc3: {  	[tilespmem:s15+$0x2C00] =	vst v2;
	v2 =	vld [tilespmem:$0x1FF50];
	_ =	sdelay $0x1  }
0xc4: {  	vm2 =	vmand vm8, vm6;
	vm8 =	vmneg vm11  }
0xc5: {  	vm1 =	vmand vm10, vm5;
	vm3 =	vmand vm12, vm8;
	vm10 =	vnez.u8 v1  }
0xc6: {  	vm0 =	vmor vm10, vm3  }
0xc7: {  	[tilespmem:$0x1FF70] =	vst v18;
	vm12 =	vnez.u8 v2;
	v2 =	vsel vm0, $0x3F800000, v0  }
0xc8: {  	[tilespmem:s15+$0x2800] =	vst v2;
	v2 =	vld [tilespmem:$0x1FF70];
	_ =	sdelay $0x1  }
0xc9: {  	vm2 =	vmor vm9, vm2  }
0xca: {  	[tilespmem:$0x1FF80] =	vst v5;
	v1 =	vsel vm2, $0x3F800000, v0  }
0xcb: {  	[tilespmem:s15+$0x2A00] =	vst v1;
	v1 =	vld [tilespmem:$0x1FF60]  }
0xcc: {  	vm14 =	vnez.u8 v2;
	v2 =	vld [tilespmem:$0x1FF80];
	_ =	sdelay $0x1  }
0xcd: {  	[tilespmem:s15+$0x2000] =	vst v61  }
0xce: {  	vm11 =	vne.f32 v51, v58;
	[tilespmem:s15+$0x1600] =	vst v62  }
0xcf: {  	[tilespmem:s15+$0x1C00] =	vst v63;
	vm2 =	vmand vm15, vm11;
	vm1 =	vmor vm12, vm1;
	vm13 =	vnez.u8 v1  }
0xd0: {  	[tilespmem:s15+$0x1A00] =	vst v3;
	v1 =	vsel vm1, $0x3F800000, v0;
	vm0 =	vmor vm13, vm2;
	vm15 =	vnez.u8 v2  }
0xd1: {  	[tilespmem:s15+$0x2600] =	vst v1;
	v2 =	vsel vm0, $0x3F800000, v0;
	vm1 =	vmor vm14, vm15  }
0xd2: {  	[tilespmem:s15+$0x2400] =	vst v2;
	v1 =	vsel vm1, $0x3F800000, v0  }
0xd3: {  	[tilespmem:s15+$0x2200] =	vst v1  }
0xd4: {  	[hbm4b:s4+s7] =	stream.strided.scatter [tilespmem:s10], [sflag:$0x2], $0x1000, s8, s7, $0x38;
	[tilespmem:$0x3000] =	vst v63  }
0xd5: {  	s13 =	sadd.s32 $0x1, s13;
	_ =	swait.ge [sflag:s11], $0x1000  }
0xd6: {  	p0 =	sne.s32 s13, s6;
	[sflag:s11] =	ssyncset.done $0x0  }
.Ltmp1:
0xd7: {  	[sflag:s11] =	ssyncadd.s32 $0xFFFFF000;
	(pc) =	sbr.rel @p0 .LBB2_1-.Ltmp1, $4  }
0xd8: {  	[hbm4b:s5+s7] =	stream.strided.scatter [tilespmem:s12], [sflag:$0x2], $0x1000, s8, s7, $0x38;
	[tilespmem:$0x3000] =	vst v63  }
0xd9: {  	_ =	swait.ge [sflag:s11], $0x1000  }
0xda: {  	[sflag:s11] =	ssyncset.done $0x0  }
0xdb: {  	[sflag:s11] =	ssyncadd.s32 $0xFFFFF000  }
0xdc: {  	_ =	sfence.sel $0x180000  }
0xdd: {  	[bflag:$0x0] =	sbarrier.arrive $0xFFFF  }
0xde: {  	p0 =	sne.s32 s1, $0x0;
	_ =	strace $0x90000047  }
0xdf: {  	s0 =	sadd.s32 @!p0 $0x100000, s0;
	[bflag:$0x2] =	sbarrier.arrive $0xFFFF  }
0xe0: {  	[sflag:s0] =	ssyncadd.tile.s32 @!p0 $0x1;
	_ =	shalt  }
.Lfunc_end2:
_tile_overlayer_lowered:
.L_overlay_start_2:
0xe1: {  	(tag) =	ssettag $0x2  }
0xe2: {  	s0 =	rddreg [dreg:$0x0];
	s2 =	stileid.u32  }
0xe3: {  	s1 =	rddreg [dreg:$0x1];
	p0 =	sne.s32 s2, $0x0  }
0xe4: {  	s3 =	rddreg [dreg:$0x2];
	[bflag:$0x3] =	sbarrier.arrive $0xFFFF;
	s2 =	simm.s32 @!p0 $0x1C02  }
0xe5: {  	[timem:s3], [sflag:s2] =	dma.local @!p0 [hbm:s0], s1  }
0xe6: {  	s0 =	simm.s32 @!p0 $0x2  }
0xe7: {  	_ =	swait.ge @!p0 [sflag:s0], s1  }
0xe8: {  	s1 =	ssub.s32 @!p0 $0x0, s1;
	[sflag:s0] =	ssyncset.done @!p0 $0x0  }
0xe9: {  	[sflag:s0] =	ssyncadd.s32 @!p0 s1  }
0xea: {  	[bflag:$0x3] =	sbarrier.arrive $0xFFFF  }
0xeb: {  	_ =	shalt  }

</sc_bundles>
